<compile_context>
chip_gen: v7x
topology: tpu7x:2x2x1
jax: 0.10.2.dev20260603
libtpu: 0.0.44.dev20260713+nightly
codegen_flags: <defaults>
</compile_context>

<pallas_src>
import jax
import jax.numpy as jnp
from jax import lax
from jax.experimental import pallas as pl
from jax.experimental.pallas import tpu as pltpu
from jax.experimental.pallas import tpu_sc as plsc

_N = 10000
_E = 320000
_D = 128
_NC, _NS, _L = 2, 16, 16
_NW = _NC * _NS
_EPW = _E // _NW
_R_BLK = 160000


def _prep_body(et_ref, ei_ref, h_ref, w1_ref, b1_ref, w2_ref, b2_ref,
               r_ref, s_ref, d_ref, pq_ref):
    w2e = w2_ref[:, _D:]
    r_ref[...] = lax.dot_general(w2e, et_ref[...], (((1,), (0,)), ((), ())),
                                 preferred_element_type=jnp.float32)
    s_ref[...] = ei_ref[0:1, :]
    d_ref[...] = ei_ref[1:2, :]

    @pl.when(pl.program_id(0) == 0)
    def _tables():
        w2h = w2_ref[:, :_D]
        v = lax.dot_general(w2h, w1_ref[...], (((1,), (0,)), ((), ())),
                            preferred_element_type=jnp.float32)
        va = v[:, :_D]
        vb = v[:, _D:]
        h = h_ref[...]
        p = lax.dot_general(va, h, (((1,), (1,)), ((), ())),
                            preferred_element_type=jnp.float32)
        q = lax.dot_general(vb, h, (((1,), (1,)), ((), ())),
                            preferred_element_type=jnp.float32)
        c = lax.dot_general(w2h, b1_ref[...], (((1,), (1,)), ((), ())),
                            preferred_element_type=jnp.float32)
        pq_ref[0:1, :] = p + c + b2_ref[...]
        pq_ref[1:2, :] = q


def _sc_body(pq_hbm, s_hbm, d_hbm, r_hbm, out_hbm,
             p_v, q_v, s_v, d_v, r_v, o_v, sem):
    cid = lax.axis_index("c")
    sid = lax.axis_index("s")
    wid = sid * _NC + cid
    base = wid * _EPW
    cps = [
        pltpu.async_copy(pq_hbm.at[0], p_v, sem),
        pltpu.async_copy(pq_hbm.at[1], q_v, sem),
        pltpu.async_copy(s_hbm.at[0].at[pl.ds(base, _EPW)], s_v, sem),
        pltpu.async_copy(d_hbm.at[0].at[pl.ds(base, _EPW)], d_v, sem),
        pltpu.async_copy(r_hbm.at[0].at[pl.ds(base, _EPW)], r_v, sem),
    ]
    for cp in cps:
        cp.wait()

    @plsc.parallel_loop(0, _EPW, step=_L, unroll=25)
    def _loop(off):
        sidx = s_v[pl.ds(off, _L)]
        didx = d_v[pl.ds(off, _L)]
        pv = plsc.load_gather(p_v, [sidx])
        qv = plsc.load_gather(q_v, [didx])
        rv = r_v[pl.ds(off, _L)]
        o_v[pl.ds(off, _L)] = pv + qv + rv

    pltpu.sync_copy(o_v, out_hbm.at[0].at[pl.ds(base, _EPW)])


@jax.jit
def kernel(h, edge_index, e, W1_w, W1_b, W2_w, W2_b):
    ei = edge_index.astype(jnp.int32)
    b1 = W1_b.reshape(1, _D)
    b2 = W2_b.reshape(1, 1)
    et = e.T

    r, s, d, pq = pl.pallas_call(
        _prep_body,
        grid=(_E // _R_BLK,),
        in_specs=[
            pl.BlockSpec((16, _R_BLK), lambda i: (0, i)),
            pl.BlockSpec((2, _R_BLK), lambda i: (0, i)),
            pl.BlockSpec((_N, _D), lambda i: (0, 0)),
            pl.BlockSpec((_D, 2 * _D), lambda i: (0, 0)),
            pl.BlockSpec((1, _D), lambda i: (0, 0)),
            pl.BlockSpec((1, 144), lambda i: (0, 0)),
            pl.BlockSpec((1, 1), lambda i: (0, 0)),
        ],
        out_specs=[
            pl.BlockSpec((1, _R_BLK), lambda i: (0, i)),
            pl.BlockSpec((1, _R_BLK), lambda i: (0, i)),
            pl.BlockSpec((1, _R_BLK), lambda i: (0, i)),
            pl.BlockSpec((2, _N), lambda i: (0, 0)),
        ],
        out_shape=[
            jax.ShapeDtypeStruct((1, _E), jnp.float32),
            jax.ShapeDtypeStruct((1, _E), jnp.int32),
            jax.ShapeDtypeStruct((1, _E), jnp.int32),
            jax.ShapeDtypeStruct((2, _N), jnp.float32),
        ],
    )(et, ei, h, W1_w, b1, W2_w, b2)

    mesh = plsc.VectorSubcoreMesh(core_axis_name="c", subcore_axis_name="s")
    score = pl.kernel(
        _sc_body,
        out_type=jax.ShapeDtypeStruct((1, _E), jnp.float32),
        mesh=mesh,
        compiler_params=pltpu.CompilerParams(needs_layout_passes=False),
        scratch_types=[
            pltpu.VMEM((_N,), jnp.float32),
            pltpu.VMEM((_N,), jnp.float32),
            pltpu.VMEM((_EPW,), jnp.int32),
            pltpu.VMEM((_EPW,), jnp.int32),
            pltpu.VMEM((_EPW,), jnp.float32),
            pltpu.VMEM((_EPW,), jnp.float32),
            pltpu.SemaphoreType.DMA,
        ],
    )(pq, s, d, r)

    return score.reshape(_E, 1)

# --- scband reference (transcript-rebuilt; emitter-appended) ---
"""Pipeline reference for scband-mlppredictor-embed-38087769981264 (READ-ONLY COPY).

The authoritative reference and input builder live on the scoring server;
editing this copy changes nothing except your own understanding.
"""

import jax, jax.numpy as jnp
import numpy as np

N_NODES = 10000
N_EDGES = 320000
D_FEAT = 128
EDGE_FEATURES = 128
EDGE_EMBED = 16
OUT_CLASSES = 1


def setup_inputs(seed: int = 0) -> dict:
    key = jax.random.key(seed)
    k_h, k_ei, k_e, k_w1, k_b1, k_w2, k_b2 = jax.random.split(key, 7)
    h = jax.random.normal(k_h, (N_NODES, D_FEAT), dtype=jnp.float32)
    edge_index = jax.random.randint(k_ei, (2, N_EDGES), 0, N_NODES, dtype=jnp.int64)
    e = jax.random.normal(k_e, (N_EDGES, EDGE_EMBED), dtype=jnp.float32)
    # Linear layer params (torch convention: weight [out, in])
    in1 = D_FEAT * 2
    W1_w = jax.random.normal(k_w1, (EDGE_FEATURES, in1), dtype=jnp.float32) / np.sqrt(in1)
    W1_b = jax.random.normal(k_b1, (EDGE_FEATURES,), dtype=jnp.float32) * 0.01
    in2 = EDGE_FEATURES + EDGE_EMBED
    W2_w = jax.random.normal(k_w2, (OUT_CLASSES, in2), dtype=jnp.float32) / np.sqrt(in2)
    W2_b = jax.random.normal(k_b2, (OUT_CLASSES,), dtype=jnp.float32) * 0.01
    return {"h": h, "edge_index": edge_index, "e": e,
            "W1_w": W1_w, "W1_b": W1_b, "W2_w": W2_w, "W2_b": W2_b}


def reference(h, edge_index, e, W1_w, W1_b, W2_w, W2_b):
    src = edge_index[0]
    dst = edge_index[1]
    h_u = jnp.take(h, src, axis=0)   # gather src node feats [E, d]
    h_v = jnp.take(h, dst, axis=0)   # gather dst node feats [E, d]
    h_e = jnp.concatenate([h_u, h_v], axis=1) @ W1_w.T + W1_b
    score = jnp.concatenate([h_e, jnp.squeeze(e)], axis=1) @ W2_w.T + W2_b
    return score

if __name__ == "__main__":
    import jax
    _d = setup_inputs()
    print(jax.jit(kernel)(*tuple(_d.values())))

</pallas_src>

<mosaic_0001>
#map = affine_map<(d0, d1) -> (0, 0)>
module attributes {stable_mosaic.version = 14 : i64} {
  func.func @_sc_body(%arg0: i32, %arg1: i32, %arg2: memref<2x10000xf32, #tpu.memory_space<hbm>>, %arg3: memref<1x320000xi32, #tpu.memory_space<hbm>>, %arg4: memref<1x320000xi32, #tpu.memory_space<hbm>>, %arg5: memref<1x320000xf32, #tpu.memory_space<hbm>>, %arg6: memref<1x320000xf32, #tpu.memory_space<hbm>>, %arg7: memref<10000xf32, #tpu.memory_space<vmem>>, %arg8: memref<10000xf32, #tpu.memory_space<vmem>>, %arg9: memref<10000xi32, #tpu.memory_space<vmem>>, %arg10: memref<10000xi32, #tpu.memory_space<vmem>>, %arg11: memref<10000xf32, #tpu.memory_space<vmem>>, %arg12: memref<10000xf32, #tpu.memory_space<vmem>>, %arg13: memref<!tpu.dma_semaphore, #tpu.memory_space<semaphore_mem>>) attributes {dimension_semantics = [#tpu.dimension_semantics<core_parallel>, #tpu.dimension_semantics<subcore_parallel>], iteration_bounds = array<i64: 2, 16>, scalar_prefetch = 0 : i64, scratch_operands = 7 : i64, tpu.core_type = #tpu.core_type<sc_vector_subcore>, window_params = [{transform_indices = #map}, {transform_indices = #map}, {transform_indices = #map}, {transform_indices = #map}, {transform_indices = #map}]} {
    %mul3A = arith.constant 2 : i32
    %mul3A_0 = arith.muli %arg1, %mul3A : i32
    %add3A = arith.addi %mul3A_0, %arg0 : i32
    %mul3A_1 = arith.constant 10000 : i32
    %mul3A_2 = arith.muli %add3A, %mul3A_1 : i32
    %dma_start3A = arith.constant 0 : i32
    %dma_start3A_3 = arith.constant 0 : i32
    %dma_start3A_4 = tpu.memref_slice %arg2[%dma_start3A, %dma_start3A_3] : memref<2x10000xf32, #tpu.memory_space<hbm>> -> memref<1x10000xf32, #tpu.memory_space<hbm>>
    %dma_start3A_5 = tpu.memref_squeeze %dma_start3A_4 : memref<1x10000xf32, #tpu.memory_space<hbm>> -> memref<10000xf32, #tpu.memory_space<hbm>>
    %dma_start3A_6 = arith.constant 0 : i32
    %dma_start3A_7 = tpu.memref_slice %arg2[%dma_start3A, %dma_start3A_6] : memref<2x10000xf32, #tpu.memory_space<hbm>> -> memref<1x10000xf32, #tpu.memory_space<hbm>>
    %dma_start3A_8 = tpu.memref_squeeze %dma_start3A_7 : memref<1x10000xf32, #tpu.memory_space<hbm>> -> memref<10000xf32, #tpu.memory_space<hbm>>
    tpu.enqueue_dma source(%dma_start3A_8 : memref<10000xf32, #tpu.memory_space<hbm>>) target(%arg7 : memref<10000xf32, #tpu.memory_space<vmem>>) target_semaphore(%arg13 : memref<!tpu.dma_semaphore, #tpu.memory_space<semaphore_mem>>)
    %dma_start3A_9 = arith.constant 1 : i32
    %dma_start3A_10 = arith.constant 0 : i32
    %dma_start3A_11 = tpu.memref_slice %arg2[%dma_start3A_9, %dma_start3A_10] : memref<2x10000xf32, #tpu.memory_space<hbm>> -> memref<1x10000xf32, #tpu.memory_space<hbm>>
    %dma_start3A_12 = tpu.memref_squeeze %dma_start3A_11 : memref<1x10000xf32, #tpu.memory_space<hbm>> -> memref<10000xf32, #tpu.memory_space<hbm>>
    %dma_start3A_13 = arith.constant 0 : i32
    %dma_start3A_14 = tpu.memref_slice %arg2[%dma_start3A_9, %dma_start3A_13] : memref<2x10000xf32, #tpu.memory_space<hbm>> -> memref<1x10000xf32, #tpu.memory_space<hbm>>
    %dma_start3A_15 = tpu.memref_squeeze %dma_start3A_14 : memref<1x10000xf32, #tpu.memory_space<hbm>> -> memref<10000xf32, #tpu.memory_space<hbm>>
    tpu.enqueue_dma source(%dma_start3A_15 : memref<10000xf32, #tpu.memory_space<hbm>>) target(%arg8 : memref<10000xf32, #tpu.memory_space<vmem>>) target_semaphore(%arg13 : memref<!tpu.dma_semaphore, #tpu.memory_space<semaphore_mem>>)
    %dma_start3A_16 = arith.constant 0 : i32
    %dma_start3A_17 = arith.constant 0 : i32
    %dma_start3A_18 = tpu.memref_slice %arg3[%dma_start3A_16, %dma_start3A_17] : memref<1x320000xi32, #tpu.memory_space<hbm>> -> memref<1x320000xi32, #tpu.memory_space<hbm>>
    %dma_start3A_19 = tpu.memref_squeeze %dma_start3A_18 : memref<1x320000xi32, #tpu.memory_space<hbm>> -> memref<320000xi32, #tpu.memory_space<hbm>>
    %dma_start3A_20 = tpu.memref_slice %dma_start3A_19[%mul3A_2] : memref<320000xi32, #tpu.memory_space<hbm>> -> memref<10000xi32, #tpu.memory_space<hbm>>
    %dma_start3A_21 = arith.constant 0 : i32
    %dma_start3A_22 = tpu.memref_slice %arg3[%dma_start3A_16, %dma_start3A_21] : memref<1x320000xi32, #tpu.memory_space<hbm>> -> memref<1x320000xi32, #tpu.memory_space<hbm>>
    %dma_start3A_23 = tpu.memref_squeeze %dma_start3A_22 : memref<1x320000xi32, #tpu.memory_space<hbm>> -> memref<320000xi32, #tpu.memory_space<hbm>>
    %dma_start3A_24 = tpu.memref_slice %dma_start3A_23[%mul3A_2] : memref<320000xi32, #tpu.memory_space<hbm>> -> memref<10000xi32, #tpu.memory_space<hbm>>
    tpu.enqueue_dma source(%dma_start3A_24 : memref<10000xi32, #tpu.memory_space<hbm>>) target(%arg9 : memref<10000xi32, #tpu.memory_space<vmem>>) target_semaphore(%arg13 : memref<!tpu.dma_semaphore, #tpu.memory_space<semaphore_mem>>)
    %dma_start3A_25 = arith.constant 0 : i32
    %dma_start3A_26 = arith.constant 0 : i32
    %dma_start3A_27 = tpu.memref_slice %arg4[%dma_start3A_25, %dma_start3A_26] : memref<1x320000xi32, #tpu.memory_space<hbm>> -> memref<1x320000xi32, #tpu.memory_space<hbm>>
    %dma_start3A_28 = tpu.memref_squeeze %dma_start3A_27 : memref<1x320000xi32, #tpu.memory_space<hbm>> -> memref<320000xi32, #tpu.memory_space<hbm>>
    %dma_start3A_29 = tpu.memref_slice %dma_start3A_28[%mul3A_2] : memref<320000xi32, #tpu.memory_space<hbm>> -> memref<10000xi32, #tpu.memory_space<hbm>>
    %dma_start3A_30 = arith.constant 0 : i32
    %dma_start3A_31 = tpu.memref_slice %arg4[%dma_start3A_25, %dma_start3A_30] : memref<1x320000xi32, #tpu.memory_space<hbm>> -> memref<1x320000xi32, #tpu.memory_space<hbm>>
    %dma_start3A_32 = tpu.memref_squeeze %dma_start3A_31 : memref<1x320000xi32, #tpu.memory_space<hbm>> -> memref<320000xi32, #tpu.memory_space<hbm>>
    %dma_start3A_33 = tpu.memref_slice %dma_start3A_32[%mul3A_2] : memref<320000xi32, #tpu.memory_space<hbm>> -> memref<10000xi32, #tpu.memory_space<hbm>>
    tpu.enqueue_dma source(%dma_start3A_33 : memref<10000xi32, #tpu.memory_space<hbm>>) target(%arg10 : memref<10000xi32, #tpu.memory_space<vmem>>) target_semaphore(%arg13 : memref<!tpu.dma_semaphore, #tpu.memory_space<semaphore_mem>>)
    %dma_start3A_34 = arith.constant 0 : i32
    %dma_start3A_35 = arith.constant 0 : i32
    %dma_start3A_36 = tpu.memref_slice %arg5[%dma_start3A_34, %dma_start3A_35] : memref<1x320000xf32, #tpu.memory_space<hbm>> -> memref<1x320000xf32, #tpu.memory_space<hbm>>
    %dma_start3A_37 = tpu.memref_squeeze %dma_start3A_36 : memref<1x320000xf32, #tpu.memory_space<hbm>> -> memref<320000xf32, #tpu.memory_space<hbm>>
    %dma_start3A_38 = tpu.memref_slice %dma_start3A_37[%mul3A_2] : memref<320000xf32, #tpu.memory_space<hbm>> -> memref<10000xf32, #tpu.memory_space<hbm>>
    %dma_start3A_39 = arith.constant 0 : i32
    %dma_start3A_40 = tpu.memref_slice %arg5[%dma_start3A_34, %dma_start3A_39] : memref<1x320000xf32, #tpu.memory_space<hbm>> -> memref<1x320000xf32, #tpu.memory_space<hbm>>
    %dma_start3A_41 = tpu.memref_squeeze %dma_start3A_40 : memref<1x320000xf32, #tpu.memory_space<hbm>> -> memref<320000xf32, #tpu.memory_space<hbm>>
    %dma_start3A_42 = tpu.memref_slice %dma_start3A_41[%mul3A_2] : memref<320000xf32, #tpu.memory_space<hbm>> -> memref<10000xf32, #tpu.memory_space<hbm>>
    tpu.enqueue_dma source(%dma_start3A_42 : memref<10000xf32, #tpu.memory_space<hbm>>) target(%arg11 : memref<10000xf32, #tpu.memory_space<vmem>>) target_semaphore(%arg13 : memref<!tpu.dma_semaphore, #tpu.memory_space<semaphore_mem>>)
    %dma_wait3A = arith.constant 0 : i32
    %dma_wait3A_43 = arith.constant 0 : i32
    %dma_wait3A_44 = tpu.memref_slice %arg2[%dma_wait3A, %dma_wait3A_43] : memref<2x10000xf32, #tpu.memory_space<hbm>> -> memref<1x10000xf32, #tpu.memory_space<hbm>>
    %dma_wait3A_45 = tpu.memref_squeeze %dma_wait3A_44 : memref<1x10000xf32, #tpu.memory_space<hbm>> -> memref<10000xf32, #tpu.memory_space<hbm>>
    %dma_wait3A_46 = arith.constant 0 : i32
    %dma_wait3A_47 = tpu.memref_slice %arg2[%dma_wait3A, %dma_wait3A_46] : memref<2x10000xf32, #tpu.memory_space<hbm>> -> memref<1x10000xf32, #tpu.memory_space<hbm>>
    %dma_wait3A_48 = tpu.memref_squeeze %dma_wait3A_47 : memref<1x10000xf32, #tpu.memory_space<hbm>> -> memref<10000xf32, #tpu.memory_space<hbm>>
    tpu.wait_dma2 semaphore(%arg13 : memref<!tpu.dma_semaphore, #tpu.memory_space<semaphore_mem>>) src(%dma_wait3A_48 : memref<10000xf32, #tpu.memory_space<hbm>>) dst(%arg7 : memref<10000xf32, #tpu.memory_space<vmem>>)
    %dma_wait3A_49 = arith.constant 1 : i32
    %dma_wait3A_50 = arith.constant 0 : i32
    %dma_wait3A_51 = tpu.memref_slice %arg2[%dma_wait3A_49, %dma_wait3A_50] : memref<2x10000xf32, #tpu.memory_space<hbm>> -> memref<1x10000xf32, #tpu.memory_space<hbm>>
    %dma_wait3A_52 = tpu.memref_squeeze %dma_wait3A_51 : memref<1x10000xf32, #tpu.memory_space<hbm>> -> memref<10000xf32, #tpu.memory_space<hbm>>
    %dma_wait3A_53 = arith.constant 0 : i32
    %dma_wait3A_54 = tpu.memref_slice %arg2[%dma_wait3A_49, %dma_wait3A_53] : memref<2x10000xf32, #tpu.memory_space<hbm>> -> memref<1x10000xf32, #tpu.memory_space<hbm>>
    %dma_wait3A_55 = tpu.memref_squeeze %dma_wait3A_54 : memref<1x10000xf32, #tpu.memory_space<hbm>> -> memref<10000xf32, #tpu.memory_space<hbm>>
    tpu.wait_dma2 semaphore(%arg13 : memref<!tpu.dma_semaphore, #tpu.memory_space<semaphore_mem>>) src(%dma_wait3A_55 : memref<10000xf32, #tpu.memory_space<hbm>>) dst(%arg8 : memref<10000xf32, #tpu.memory_space<vmem>>)
    %dma_wait3A_56 = arith.constant 0 : i32
    %dma_wait3A_57 = arith.constant 0 : i32
    %dma_wait3A_58 = tpu.memref_slice %arg3[%dma_wait3A_56, %dma_wait3A_57] : memref<1x320000xi32, #tpu.memory_space<hbm>> -> memref<1x320000xi32, #tpu.memory_space<hbm>>
    %dma_wait3A_59 = tpu.memref_squeeze %dma_wait3A_58 : memref<1x320000xi32, #tpu.memory_space<hbm>> -> memref<320000xi32, #tpu.memory_space<hbm>>
    %dma_wait3A_60 = tpu.memref_slice %dma_wait3A_59[%mul3A_2] : memref<320000xi32, #tpu.memory_space<hbm>> -> memref<10000xi32, #tpu.memory_space<hbm>>
    %dma_wait3A_61 = arith.constant 0 : i32
    %dma_wait3A_62 = tpu.memref_slice %arg3[%dma_wait3A_56, %dma_wait3A_61] : memref<1x320000xi32, #tpu.memory_space<hbm>> -> memref<1x320000xi32, #tpu.memory_space<hbm>>
    %dma_wait3A_63 = tpu.memref_squeeze %dma_wait3A_62 : memref<1x320000xi32, #tpu.memory_space<hbm>> -> memref<320000xi32, #tpu.memory_space<hbm>>
    %dma_wait3A_64 = tpu.memref_slice %dma_wait3A_63[%mul3A_2] : memref<320000xi32, #tpu.memory_space<hbm>> -> memref<10000xi32, #tpu.memory_space<hbm>>
    tpu.wait_dma2 semaphore(%arg13 : memref<!tpu.dma_semaphore, #tpu.memory_space<semaphore_mem>>) src(%dma_wait3A_64 : memref<10000xi32, #tpu.memory_space<hbm>>) dst(%arg9 : memref<10000xi32, #tpu.memory_space<vmem>>)
    %dma_wait3A_65 = arith.constant 0 : i32
    %dma_wait3A_66 = arith.constant 0 : i32
    %dma_wait3A_67 = tpu.memref_slice %arg4[%dma_wait3A_65, %dma_wait3A_66] : memref<1x320000xi32, #tpu.memory_space<hbm>> -> memref<1x320000xi32, #tpu.memory_space<hbm>>
    %dma_wait3A_68 = tpu.memref_squeeze %dma_wait3A_67 : memref<1x320000xi32, #tpu.memory_space<hbm>> -> memref<320000xi32, #tpu.memory_space<hbm>>
    %dma_wait3A_69 = tpu.memref_slice %dma_wait3A_68[%mul3A_2] : memref<320000xi32, #tpu.memory_space<hbm>> -> memref<10000xi32, #tpu.memory_space<hbm>>
    %dma_wait3A_70 = arith.constant 0 : i32
    %dma_wait3A_71 = tpu.memref_slice %arg4[%dma_wait3A_65, %dma_wait3A_70] : memref<1x320000xi32, #tpu.memory_space<hbm>> -> memref<1x320000xi32, #tpu.memory_space<hbm>>
    %dma_wait3A_72 = tpu.memref_squeeze %dma_wait3A_71 : memref<1x320000xi32, #tpu.memory_space<hbm>> -> memref<320000xi32, #tpu.memory_space<hbm>>
    %dma_wait3A_73 = tpu.memref_slice %dma_wait3A_72[%mul3A_2] : memref<320000xi32, #tpu.memory_space<hbm>> -> memref<10000xi32, #tpu.memory_space<hbm>>
    tpu.wait_dma2 semaphore(%arg13 : memref<!tpu.dma_semaphore, #tpu.memory_space<semaphore_mem>>) src(%dma_wait3A_73 : memref<10000xi32, #tpu.memory_space<hbm>>) dst(%arg10 : memref<10000xi32, #tpu.memory_space<vmem>>)
    %dma_wait3A_74 = arith.constant 0 : i32
    %dma_wait3A_75 = arith.constant 0 : i32
    %dma_wait3A_76 = tpu.memref_slice %arg5[%dma_wait3A_74, %dma_wait3A_75] : memref<1x320000xf32, #tpu.memory_space<hbm>> -> memref<1x320000xf32, #tpu.memory_space<hbm>>
    %dma_wait3A_77 = tpu.memref_squeeze %dma_wait3A_76 : memref<1x320000xf32, #tpu.memory_space<hbm>> -> memref<320000xf32, #tpu.memory_space<hbm>>
    %dma_wait3A_78 = tpu.memref_slice %dma_wait3A_77[%mul3A_2] : memref<320000xf32, #tpu.memory_space<hbm>> -> memref<10000xf32, #tpu.memory_space<hbm>>
    %dma_wait3A_79 = arith.constant 0 : i32
    %dma_wait3A_80 = tpu.memref_slice %arg5[%dma_wait3A_74, %dma_wait3A_79] : memref<1x320000xf32, #tpu.memory_space<hbm>> -> memref<1x320000xf32, #tpu.memory_space<hbm>>
    %dma_wait3A_81 = tpu.memref_squeeze %dma_wait3A_80 : memref<1x320000xf32, #tpu.memory_space<hbm>> -> memref<320000xf32, #tpu.memory_space<hbm>>
    %dma_wait3A_82 = tpu.memref_slice %dma_wait3A_81[%mul3A_2] : memref<320000xf32, #tpu.memory_space<hbm>> -> memref<10000xf32, #tpu.memory_space<hbm>>
    tpu.wait_dma2 semaphore(%arg13 : memref<!tpu.dma_semaphore, #tpu.memory_space<semaphore_mem>>) src(%dma_wait3A_82 : memref<10000xf32, #tpu.memory_space<hbm>>) dst(%arg11 : memref<10000xf32, #tpu.memory_space<vmem>>)
    %parallel_loop3A = arith.constant 0 : i32
    %parallel_loop3A_83 = arith.constant 10000 : i32
    %parallel_loop3A_84 = arith.constant 16 : i32
    scf.for %parallel_loop3A_85 = %parallel_loop3A to %parallel_loop3A_83 step %parallel_loop3A_84  : i32 {
      %parallel_loop3A_86 = arith.index_cast %parallel_loop3A_85 : i32 to index
      %parallel_loop3A_87 = tpu.vector_load %arg9[%parallel_loop3A_86] {strides = array<i32>} : memref<10000xi32, #tpu.memory_space<vmem>>, vector<16xi32>,
      %parallel_loop3A_88 = arith.index_cast %parallel_loop3A_85 : i32 to index
      %parallel_loop3A_89 = tpu.vector_load %arg10[%parallel_loop3A_88] {strides = array<i32>} : memref<10000xi32, #tpu.memory_space<vmem>>, vector<16xi32>,
      %parallel_loop3A_90 = tpu.vector_load_idx %arg7[%parallel_loop3A_87] : memref<10000xf32, #tpu.memory_space<vmem>>[vector<16xi32>], vector<16xf32>,
      %parallel_loop3A_91 = tpu.vector_load_idx %arg8[%parallel_loop3A_89] : memref<10000xf32, #tpu.memory_space<vmem>>[vector<16xi32>], vector<16xf32>,
      %parallel_loop3A_92 = arith.index_cast %parallel_loop3A_85 : i32 to index
      %parallel_loop3A_93 = tpu.vector_load %arg11[%parallel_loop3A_92] {strides = array<i32>} : memref<10000xf32, #tpu.memory_space<vmem>>, vector<16xf32>,
      %parallel_loop3A_94 = arith.addf %parallel_loop3A_90, %parallel_loop3A_91 : vector<16xf32>
      %parallel_loop3A_95 = arith.addf %parallel_loop3A_94, %parallel_loop3A_93 : vector<16xf32>
      %parallel_loop3A_96 = arith.index_cast %parallel_loop3A_85 : i32 to index
      %parallel_loop3A_97 = tpu.vector_load %arg12[%parallel_loop3A_96] {strides = array<i32>} : memref<10000xf32, #tpu.memory_space<vmem>>, vector<16xf32>,
      tpu.vector_store %arg12[%parallel_loop3A_96], %parallel_loop3A_95 {strides = array<i32>} : memref<10000xf32, #tpu.memory_space<vmem>>, vector<16xf32>,
    } {sc.loop_unroll_factor = 25 : i64, sc.parallel_access}
    %run_scoped3A = arith.constant 0 : i32
    "tpu.region"() ({
      %run_scoped3A_85 = tpu.sem_alloc : memref<!tpu.dma_semaphore, #tpu.memory_space<semaphore_mem>>
      %dma_start3A_86 = arith.constant 0 : i32
      %dma_start3A_87 = tpu.memref_slice %arg6[%run_scoped3A, %dma_start3A_86] : memref<1x320000xf32, #tpu.memory_space<hbm>> -> memref<1x320000xf32, #tpu.memory_space<hbm>>
      %dma_start3A_88 = tpu.memref_squeeze %dma_start3A_87 : memref<1x320000xf32, #tpu.memory_space<hbm>> -> memref<320000xf32, #tpu.memory_space<hbm>>
      %dma_start3A_89 = tpu.memref_slice %dma_start3A_88[%mul3A_2] : memref<320000xf32, #tpu.memory_space<hbm>> -> memref<10000xf32, #tpu.memory_space<hbm>>
      %dma_start3A_90 = arith.constant 0 : i32
      %dma_start3A_91 = tpu.memref_slice %arg6[%run_scoped3A, %dma_start3A_90] : memref<1x320000xf32, #tpu.memory_space<hbm>> -> memref<1x320000xf32, #tpu.memory_space<hbm>>
      %dma_start3A_92 = tpu.memref_squeeze %dma_start3A_91 : memref<1x320000xf32, #tpu.memory_space<hbm>> -> memref<320000xf32, #tpu.memory_space<hbm>>
      %dma_start3A_93 = tpu.memref_slice %dma_start3A_92[%mul3A_2] : memref<320000xf32, #tpu.memory_space<hbm>> -> memref<10000xf32, #tpu.memory_space<hbm>>
      tpu.enqueue_dma source(%arg12 : memref<10000xf32, #tpu.memory_space<vmem>>) target(%dma_start3A_93 : memref<10000xf32, #tpu.memory_space<hbm>>) target_semaphore(%run_scoped3A_85 : memref<!tpu.dma_semaphore, #tpu.memory_space<semaphore_mem>>)
      %dma_wait3A_94 = arith.constant 0 : i32
      %dma_wait3A_95 = tpu.memref_slice %arg6[%run_scoped3A, %dma_wait3A_94] : memref<1x320000xf32, #tpu.memory_space<hbm>> -> memref<1x320000xf32, #tpu.memory_space<hbm>>
      %dma_wait3A_96 = tpu.memref_squeeze %dma_wait3A_95 : memref<1x320000xf32, #tpu.memory_space<hbm>> -> memref<320000xf32, #tpu.memory_space<hbm>>
      %dma_wait3A_97 = tpu.memref_slice %dma_wait3A_96[%mul3A_2] : memref<320000xf32, #tpu.memory_space<hbm>> -> memref<10000xf32, #tpu.memory_space<hbm>>
      %dma_wait3A_98 = arith.constant 0 : i32
      %dma_wait3A_99 = tpu.memref_slice %arg6[%run_scoped3A, %dma_wait3A_98] : memref<1x320000xf32, #tpu.memory_space<hbm>> -> memref<1x320000xf32, #tpu.memory_space<hbm>>
      %dma_wait3A_100 = tpu.memref_squeeze %dma_wait3A_99 : memref<1x320000xf32, #tpu.memory_space<hbm>> -> memref<320000xf32, #tpu.memory_space<hbm>>
      %dma_wait3A_101 = tpu.memref_slice %dma_wait3A_100[%mul3A_2] : memref<320000xf32, #tpu.memory_space<hbm>> -> memref<10000xf32, #tpu.memory_space<hbm>>
      tpu.wait_dma2 semaphore(%run_scoped3A_85 : memref<!tpu.dma_semaphore, #tpu.memory_space<semaphore_mem>>) src(%arg12 : memref<10000xf32, #tpu.memory_space<vmem>>) dst(%dma_wait3A_101 : memref<10000xf32, #tpu.memory_space<hbm>>)
      tpu.yield
    }) : () -> ()
    return
  }
}

module attributes {stable_mosaic.version = 14 : i64} {
  func.func @_prep_body(%arg0: i32, %arg1: memref<16x160000xf32, #tpu.memory_space<vmem>>, %arg2: memref<2x160000xi32, #tpu.memory_space<vmem>>, %arg3: memref<10000x128xf32, #tpu.memory_space<vmem>>, %arg4: memref<128x256xf32, #tpu.memory_space<vmem>>, %arg5: memref<1x128xf32, #tpu.memory_space<vmem>>, %arg6: memref<1x144xf32, #tpu.memory_space<vmem>>, %arg7: memref<1x1xf32, #tpu.memory_space<vmem>>, %arg8: memref<1x160000xf32, #tpu.memory_space<vmem>>, %arg9: memref<1x160000xi32, #tpu.memory_space<vmem>>, %arg10: memref<1x160000xi32, #tpu.memory_space<vmem>>, %arg11: memref<2x10000xf32, #tpu.memory_space<vmem>>) attributes {dimension_semantics = [#tpu.dimension_semantics<arbitrary>], iteration_bounds = array<i64: 2>, scalar_prefetch = 0 : i64, scratch_operands = 0 : i64, tpu.core_type = #tpu.core_type<tc>, window_params = [{transform_indices = @transform_0, window_bounds = array<i64: 16, 160000>}, {transform_indices = @transform_1, window_bounds = array<i64: 2, 160000>}, {pipeline_mode = #tpu.pipeline_mode<synchronous>, transform_indices = @transform_2, window_bounds = array<i64: 10000, 128>}, {pipeline_mode = #tpu.pipeline_mode<synchronous>, transform_indices = @transform_3, window_bounds = array<i64: 128, 256>}, {pipeline_mode = #tpu.pipeline_mode<synchronous>, transform_indices = @transform_4, window_bounds = array<i64: 1, 128>}, {pipeline_mode = #tpu.pipeline_mode<synchronous>, transform_indices = @transform_5, window_bounds = array<i64: 1, 144>}, {pipeline_mode = #tpu.pipeline_mode<synchronous>, transform_indices = @transform_6, window_bounds = array<i64: 1, 1>}, {transform_indices = @transform_7, window_bounds = array<i64: 1, 160000>}, {transform_indices = @transform_8, window_bounds = array<i64: 1, 160000>}, {transform_indices = @transform_9, window_bounds = array<i64: 1, 160000>}, {pipeline_mode = #tpu.pipeline_mode<synchronous>, transform_indices = @transform_10, window_bounds = array<i64: 2, 10000>}]} {
    %get3A = arith.constant 0 : index
    %get3A_0 = arith.constant 128 : index
    %get3A_1 = vector.load %arg6[%get3A, %get3A_0] : memref<1x144xf32, #tpu.memory_space<vmem>>, vector<1x16xf32>
    %get3A_2 = arith.constant 0 : index
    %get3A_3 = arith.constant 0 : index
    %get3A_4 = vector.load %arg1[%get3A_2, %get3A_3] : memref<16x160000xf32, #tpu.memory_space<vmem>>, vector<16x160000xf32>
    %dot_general3A = arith.constant dense<0.000000e+00> : vector<1x160000xf32>
    %dot_general3A_5 = tpu.matmul %get3A_1, %get3A_4, %dot_general3A {dimension_numbers = #tpu.dot_dimension_numbers<[1], [0], [0], [1], [0, 0, 1, 1], [], []>, transpose_lhs_hint = false} : vector<1x16xf32>, vector<16x160000xf32>, vector<1x160000xf32> -> vector<1x160000xf32>
    %swap3A = arith.constant 0 : index
    %swap3A_6 = arith.constant 0 : index
    %swap3A_7 = vector.load %arg8[%swap3A, %swap3A_6] : memref<1x160000xf32, #tpu.memory_space<vmem>>, vector<1x160000xf32>
    tpu.vector_store %arg8[%swap3A, %swap3A_6], %dot_general3A_5 {strides = array<i32>} : memref<1x160000xf32, #tpu.memory_space<vmem>>, vector<1x160000xf32>,
    %get3A_8 = arith.constant 0 : index
    %get3A_9 = arith.constant 0 : index
    %get3A_10 = vector.load %arg2[%get3A_8, %get3A_9] : memref<2x160000xi32, #tpu.memory_space<vmem>>, vector<1x160000xi32>
    %swap3A_11 = arith.constant 0 : index
    %swap3A_12 = arith.constant 0 : index
    %swap3A_13 = vector.load %arg9[%swap3A_11, %swap3A_12] : memref<1x160000xi32, #tpu.memory_space<vmem>>, vector<1x160000xi32>
    tpu.vector_store %arg9[%swap3A_11, %swap3A_12], %get3A_10 {strides = array<i32>} : memref<1x160000xi32, #tpu.memory_space<vmem>>, vector<1x160000xi32>,
    %get3A_14 = arith.constant 1 : index
    %get3A_15 = arith.constant 0 : index
    %get3A_16 = vector.load %arg2[%get3A_14, %get3A_15] : memref<2x160000xi32, #tpu.memory_space<vmem>>, vector<1x160000xi32>
    %swap3A_17 = arith.constant 0 : index
    %swap3A_18 = arith.constant 0 : index
    %swap3A_19 = vector.load %arg10[%swap3A_17, %swap3A_18] : memref<1x160000xi32, #tpu.memory_space<vmem>>, vector<1x160000xi32>
    tpu.vector_store %arg10[%swap3A_17, %swap3A_18], %get3A_16 {strides = array<i32>} : memref<1x160000xi32, #tpu.memory_space<vmem>>, vector<1x160000xi32>,
    %eq3A = arith.constant 0 : i32
    %eq3A_20 = arith.cmpi eq, %arg0, %eq3A : i32
    %convert_element_type3A = arith.extui %eq3A_20 : i1 to i32
    %cond3A = arith.constant 0 : i32
    %cond3A_21 = arith.cmpi ne, %convert_element_type3A, %cond3A : i32
    scf.if %cond3A_21 {
      %get3A_22 = arith.constant 0 : index
      %get3A_23 = arith.constant 0 : index
      %get3A_24 = vector.load %arg6[%get3A_22, %get3A_23] : memref<1x144xf32, #tpu.memory_space<vmem>>, vector<1x128xf32>
      %get3A_25 = arith.constant 0 : index
      %get3A_26 = arith.constant 0 : index
      %get3A_27 = vector.load %arg4[%get3A_25, %get3A_26] : memref<128x256xf32, #tpu.memory_space<vmem>>, vector<128x256xf32>
      %dot_general3A_28 = arith.constant dense<0.000000e+00> : vector<1x256xf32>
      %dot_general3A_29 = tpu.matmul %get3A_24, %get3A_27, %dot_general3A_28 {dimension_numbers = #tpu.dot_dimension_numbers<[1], [0], [0], [1], [0, 0, 1, 1], [], []>, transpose_lhs_hint = false} : vector<1x128xf32>, vector<128x256xf32>, vector<1x256xf32> -> vector<1x256xf32>
      %slice3A = vector.extract_strided_slice %dot_general3A_29 {offsets = [0, 0], sizes = [1, 128], strides = [1, 1]} : vector<1x256xf32> to vector<1x128xf32>
      %slice3A_30 = vector.extract_strided_slice %dot_general3A_29 {offsets = [0, 128], sizes = [1, 128], strides = [1, 1]} : vector<1x256xf32> to vector<1x128xf32>
      %get3A_31 = arith.constant 0 : index
      %get3A_32 = arith.constant 0 : index
      %get3A_33 = vector.load %arg3[%get3A_31, %get3A_32] : memref<10000x128xf32, #tpu.memory_space<vmem>>, vector<10000x128xf32>
      %dot_general3A_34 = arith.constant dense<0.000000e+00> : vector<1x10000xf32>
      %dot_general3A_35 = tpu.matmul %slice3A, %get3A_33, %dot_general3A_34 {dimension_numbers = #tpu.dot_dimension_numbers<[1], [1], [0], [0], [0, 0, 1, 0], [], []>, transpose_lhs_hint = false} : vector<1x128xf32>, vector<10000x128xf32>, vector<1x10000xf32> -> vector<1x10000xf32>
      %dot_general3A_36 = arith.constant dense<0.000000e+00> : vector<1x10000xf32>
      %dot_general3A_37 = tpu.matmul %slice3A_30, %get3A_33, %dot_general3A_36 {dimension_numbers = #tpu.dot_dimension_numbers<[1], [1], [0], [0], [0, 0, 1, 0], [], []>, transpose_lhs_hint = false} : vector<1x128xf32>, vector<10000x128xf32>, vector<1x10000xf32> -> vector<1x10000xf32>
      %get3A_38 = arith.constant 0 : index
      %get3A_39 = arith.constant 0 : index
      %get3A_40 = vector.load %arg5[%get3A_38, %get3A_39] : memref<1x128xf32, #tpu.memory_space<vmem>>, vector<1x128xf32>
      %dot_general3A_41 = arith.constant dense<0.000000e+00> : vector<1x1xf32>
      %dot_general3A_42 = tpu.matmul %get3A_24, %get3A_40, %dot_general3A_41 {dimension_numbers = #tpu.dot_dimension_numbers<[1], [1], [0], [0], [0, 0, 1, 0], [], []>, transpose_lhs_hint = false} : vector<1x128xf32>, vector<1x128xf32>, vector<1x1xf32> -> vector<1x1xf32>
      %add3A = vector.broadcast %dot_general3A_42 : vector<1x1xf32> to vector<1x10000xf32>
      %add3A_43 = arith.addf %dot_general3A_35, %add3A : vector<1x10000xf32>
      %get3A_44 = arith.constant 0 : index
      %get3A_45 = arith.constant 0 : index
      %get3A_46 = vector.load %arg7[%get3A_44, %get3A_45] : memref<1x1xf32, #tpu.memory_space<vmem>>, vector<1x1xf32>
      %add3A_47 = vector.broadcast %get3A_46 : vector<1x1xf32> to vector<1x10000xf32>
      %add3A_48 = arith.addf %add3A_43, %add3A_47 : vector<1x10000xf32>
      %swap3A_49 = arith.constant 0 : index
      %swap3A_50 = arith.constant 0 : index
      %swap3A_51 = vector.load %arg11[%swap3A_49, %swap3A_50] : memref<2x10000xf32, #tpu.memory_space<vmem>>, vector<1x10000xf32>
      tpu.vector_store %arg11[%swap3A_49, %swap3A_50], %add3A_48 {strides = array<i32>} : memref<2x10000xf32, #tpu.memory_space<vmem>>, vector<1x10000xf32>,
      %swap3A_52 = arith.constant 1 : index
      %swap3A_53 = arith.constant 0 : index
      %swap3A_54 = vector.load %arg11[%swap3A_52, %swap3A_53] : memref<2x10000xf32, #tpu.memory_space<vmem>>, vector<1x10000xf32>
      tpu.vector_store %arg11[%swap3A_52, %swap3A_53], %dot_general3A_37 {strides = array<i32>} : memref<2x10000xf32, #tpu.memory_space<vmem>>, vector<1x10000xf32>,
    } else {
    }
    return
  }
  func.func @transform_0(%arg0: i32) -> (i32, i32) {
    %c0_i32 = arith.constant 0 : i32
    %c0_i32_0 = arith.constant 0 : i32
    return %c0_i32, %arg0 : i32, i32
  }
  func.func @transform_1(%arg0: i32) -> (i32, i32) {
    %c0_i32 = arith.constant 0 : i32
    %c0_i32_0 = arith.constant 0 : i32
    return %c0_i32, %arg0 : i32, i32
  }
  func.func @transform_2(%arg0: i32) -> (i32, i32) {
    %c0_i32 = arith.constant 0 : i32
    %c0_i32_0 = arith.constant 0 : i32
    %c0_i32_1 = arith.constant 0 : i32
    return %c0_i32, %c0_i32_0 : i32, i32
  }
  func.func @transform_3(%arg0: i32) -> (i32, i32) {
    %c0_i32 = arith.constant 0 : i32
    %c0_i32_0 = arith.constant 0 : i32
    %c0_i32_1 = arith.constant 0 : i32
    return %c0_i32, %c0_i32_0 : i32, i32
  }
  func.func @transform_4(%arg0: i32) -> (i32, i32) {
    %c0_i32 = arith.constant 0 : i32
    %c0_i32_0 = arith.constant 0 : i32
    %c0_i32_1 = arith.constant 0 : i32
    return %c0_i32, %c0_i32_0 : i32, i32
  }
  func.func @transform_5(%arg0: i32) -> (i32, i32) {
    %c0_i32 = arith.constant 0 : i32
    %c0_i32_0 = arith.constant 0 : i32
    %c0_i32_1 = arith.constant 0 : i32
    return %c0_i32, %c0_i32_0 : i32, i32
  }
  func.func @transform_6(%arg0: i32) -> (i32, i32) {
    %c0_i32 = arith.constant 0 : i32
    %c0_i32_0 = arith.constant 0 : i32
    %c0_i32_1 = arith.constant 0 : i32
    return %c0_i32, %c0_i32_0 : i32, i32
  }
  func.func @transform_7(%arg0: i32) -> (i32, i32) {
    %c0_i32 = arith.constant 0 : i32
    %c0_i32_0 = arith.constant 0 : i32
    return %c0_i32, %arg0 : i32, i32
  }
  func.func @transform_8(%arg0: i32) -> (i32, i32) {
    %c0_i32 = arith.constant 0 : i32
    %c0_i32_0 = arith.constant 0 : i32
    return %c0_i32, %arg0 : i32, i32
  }
  func.func @transform_9(%arg0: i32) -> (i32, i32) {
    %c0_i32 = arith.constant 0 : i32
    %c0_i32_0 = arith.constant 0 : i32
    return %c0_i32, %arg0 : i32, i32
  }
  func.func @transform_10(%arg0: i32) -> (i32, i32) {
    %c0_i32 = arith.constant 0 : i32
    %c0_i32_0 = arith.constant 0 : i32
    %c0_i32_1 = arith.constant 0 : i32
    return %c0_i32, %c0_i32_0 : i32, i32
  }
}

</mosaic_0001>

<sc_bundles>
// kernel: kernel.4.cloned.1.call-start
scs
__scs_entry_jumppad:
0x0: {  	(pc) =	sbr.rel $0x88, $3  }
0x1: {  	(tag) =	ssettag $0x0;
	lr =	simm.s32 $0x1  }
0x2: {  	[smem:$0x3F9A] =	sst lr;
	_ =	strace $0xD0000000  }
0x3: {  	_ = 	snop  }
0x4: {  	_ = 	snop  }
0x5: {  	_ = 	snop  }
0x6: {  	_ = 	snop  }
0x7: {  	_ = 	snop  }
__scs_overlays_trampoline_lowered:
0x8: {  	[smem:$0x3FA9] =	sst s0  }
0x9: {  	[smem:$0x3FAA] =	sst s1  }
0xa: {  	[smem:$0x3FAB] =	sst s2  }
0xb: {  	[smem:$0x3FAC] =	sst s3  }
0xc: {  	[smem:$0x3FAD] =	sst s4  }
0xd: {  	[smem:$0x3FAE] =	sst s5  }
0xe: {  	[smem:$0x3FAF] =	sst s6  }
0xf: {  	[smem:$0x3FB0] =	sst s7  }
0x10: {  	[smem:$0x3FB1] =	sst s8  }
0x11: {  	[smem:$0x3FB2] =	sst s9;
	s0 =	simm.s32 @!p0 $0x0  }
0x12: {  	s1 =	sld [smem:$0x3F98];
	s0 =	simm.s32 @p0 $0x1  }
0x13: {  	[smem:$0x3FB3] =	sst s0;
	s0 =	simm.s32 @!p1 $0x0  }
0x14: {  	s2 =	sld [smem:$0x3F97];
	s0 =	simm.s32 @p1 $0x1  }
0x15: {  	[smem:$0x3FB4] =	sst s0;
	s0 =	simm.s32 @!p2 $0x0  }
0x16: {  	s3 =	sld [smem:$0x3FDB];
	s0 =	simm.s32 @p2 $0x1  }
0x17: {  	s4 =	simm.s32 $0x1BF5;
	[smem:$0x3FB6] =	sst s0  }
0x18: {  	s0 =	sld [smem:$0x3F99];
	_ =	swait.ge [sflag:s4], $0x0  }
0x19: {  	s7 =	sld [smem:$0x3F9A]  }
0x1a: {  	s8 =	sadd.s32 $0xFFFFE003, lr  }
0x1b: {  	s9 =	sadd.s32 $0xFFFFFEF7, lr;
	s5 =	simm.s32 $0xFFFFFFFF;
	p2 =	slt.u32 s8, $0xFFFFF086  }
0x1c: {  	p1 =	slt.u32 s9, $0xF7A;
	s5 =	simm.s32 @!p2 $0x0  }
0x1d: {  	s5 =	simm.s32 @p1 $0x1;
	p0 =	seq.s32 s7, s2  }
0x1e: {  	s7 =	smul.u32 @!p0 $0xF7A, s2;
	p2 =	seq.s32 @!p0 s5, $0x0  }
0x1f: {  	s9 =	smul.u32 $0xF7A, s1;
	s8 =	simm.s32 @!p0 $0x1BF5;
	p2 =	por !p2, p0  }
0x20: {  	[sflag:s8] =	ssyncset.s32 @!p0 $0xFFFFF086;
	s6 =	sadd.s32 @!p0 s3, s7;
	s7 =	simm.s32 @!p0 $0x108  }
0x21: {  	s3 =	sadd.s32 s3, s9;
	s6 =	sadd.s32 @!p0 $0x88, s6;
	s7 =	simm.s32 @p2 $0x1082  }
0x22: {  	[simem:s7], [sflag:s8] =	dma.local @!p0 [hbm:s6], $0xF7A  }
0x23: {  	s9 =	sor.u32 $0xD0000000, s2;
	s6 =	simm.s32 $0x108;
	_ =	swait.ge @!p0 [sflag:s8], $0x0  }
0x24: {  	s3 =	sadd.s32 $0x88, s3;
	s6 =	simm.s32 @!p1 $0x1082;
	[sflag:s4] =	ssyncset.s32 $0xFFFFF086  }
0x25: {  	[simem:s6], [sflag:s4] =	dma.local [hbm:s3], $0xF7A  }
0x26: {  	[smem:$0x3F9A] =	sst s1;
	(tag) =	ssettag s2;
	_ =	strace s9  }
0x27: {  	s1 =	sld [smem:$0x3FAA]  }
0x28: {  	s2 =	sld [smem:$0x3FAB]  }
0x29: {  	s4 =	sld [smem:$0x3FAD]  }
0x2a: {  	p0 =	seq.s32 s5, $0x0;
	s5 =	sld [smem:$0x3FAE]  }
0x2b: {  	s6 =	sld [smem:$0x3FAF]  }
0x2c: {  	s7 =	sld [smem:$0x3FB0]  }
0x2d: {  	s3 =	simm.s32 $0x108;
	s8 =	sld [smem:$0x3FB1]  }
0x2e: {  	s3 =	simm.s32 @!p0 $0x1082;
	s9 =	sld [smem:$0x3FB2]  }
0x2f: {  	lr =	sadd.s32 s0, s3;
	s0 =	sld [smem:$0x3FA9]  }
0x30: {  	s3 =	sld [smem:$0x3FAC]  }
0x31: {  	[smem:$0x3FB5] =	sst s10  }
0x32: {  	s10 =	sld [smem:$0x3FB3];
	_ =	sdelay $0x3  }
0x33: {  	p0 =	seq.s32 s10, $0x1;
	s10 =	sld [smem:$0x3FB5];
	_ =	sdelay $0x3  }
0x34: {  	[smem:$0x3FB5] =	sst s10  }
0x35: {  	s10 =	sld [smem:$0x3FB4];
	_ =	sdelay $0x3  }
0x36: {  	p1 =	seq.s32 s10, $0x1;
	s10 =	sld [smem:$0x3FB5];
	_ =	sdelay $0x3  }
0x37: {  	[smem:$0x3FB5] =	sst s10  }
0x38: {  	s10 =	sld [smem:$0x3FB6]  }
0x39: {  	_ = 	snop;
	(pc) =	sbr.ind lr, $3  }
0x3a: {  	_ = 	snop  }
0x3b: {  	_ = 	snop  }
0x3c: {  	p2 =	seq.s32 s10, $0x1;
	s10 =	sld [smem:$0x3FB5]  }
0x3d: {  	_ =	shalt  }
0x3e: {  	_ =	shalt  }
0x3f: {  	_ =	shalt  }
0x40: {  	_ =	shalt  }
0x41: {  	_ =	shalt  }
0x42: {  	_ =	shalt  }
0x43: {  	_ =	shalt  }
0x44: {  	_ =	shalt  }
0x45: {  	_ =	shalt  }
0x46: {  	_ =	shalt  }
0x47: {  	_ =	shalt  }
0x48: {  	_ =	shalt  }
0x49: {  	_ =	shalt  }
0x4a: {  	_ =	shalt  }
0x4b: {  	_ =	shalt  }
0x4c: {  	_ =	shalt  }
0x4d: {  	_ =	shalt  }
0x4e: {  	_ =	shalt  }
0x4f: {  	_ =	shalt  }
0x50: {  	_ =	shalt  }
0x51: {  	_ =	shalt  }
0x52: {  	_ =	shalt  }
0x53: {  	_ =	shalt  }
0x54: {  	_ =	shalt  }
0x55: {  	_ =	shalt  }
0x56: {  	_ =	shalt  }
0x57: {  	_ =	shalt  }
0x58: {  	_ =	shalt  }
0x59: {  	_ =	shalt  }
0x5a: {  	_ =	shalt  }
0x5b: {  	_ =	shalt  }
0x5c: {  	_ =	shalt  }
0x5d: {  	_ =	shalt  }
0x5e: {  	_ =	shalt  }
0x5f: {  	_ =	shalt  }
0x60: {  	_ =	shalt  }
0x61: {  	_ =	shalt  }
0x62: {  	_ =	shalt  }
0x63: {  	_ =	shalt  }
0x64: {  	_ =	shalt  }
0x65: {  	_ =	shalt  }
0x66: {  	_ =	shalt  }
0x67: {  	_ =	shalt  }
0x68: {  	_ =	shalt  }
0x69: {  	_ =	shalt  }
0x6a: {  	_ =	shalt  }
0x6b: {  	_ =	shalt  }
0x6c: {  	_ =	shalt  }
0x6d: {  	_ =	shalt  }
0x6e: {  	_ =	shalt  }
0x6f: {  	_ =	shalt  }
0x70: {  	_ =	shalt  }
0x71: {  	_ =	shalt  }
0x72: {  	_ =	shalt  }
0x73: {  	_ =	shalt  }
0x74: {  	_ =	shalt  }
0x75: {  	_ =	shalt  }
0x76: {  	_ =	shalt  }
0x77: {  	_ =	shalt  }
0x78: {  	_ =	shalt  }
0x79: {  	_ =	shalt  }
0x7a: {  	_ =	shalt  }
0x7b: {  	_ =	shalt  }
0x7c: {  	_ =	shalt  }
0x7d: {  	_ =	shalt  }
0x7e: {  	_ =	shalt  }
0x7f: {  	_ =	shalt  }
0x80: {  	_ =	shalt  }
0x81: {  	_ =	shalt  }
0x82: {  	_ =	shalt  }
0x83: {  	_ =	shalt  }
0x84: {  	_ =	shalt  }
0x85: {  	_ =	shalt  }
0x86: {  	_ =	shalt  }
0x87: {  	_ =	shalt  }
.Lfunc_end0:
.L_simem_size_0:
called_computation_lowered:
.L_overlay_start_0:
0x88: {  	s2 =	sld [smem:$0x3FD9]  }
0x89: {  	s3 =	sld [smem:$0x3FFE];
	_ =	sdelay $0x1  }
0x8a: {  	s1 =	srdreg.scid  }
0x8b: {  	s0 =	sand.u32 $0x1, s1  }
0x8c: {  	s17 =	sshll.u32 s0, $0xA;
	s2 =	sadd.s32 s3, s2  }
0x8d: {  	s2 =	sadd.s32 s2, s17  }
0x8e: {  	[smem:$0x3FC1] =	sst s2  }
0x8f: {  	_ = 	snop  }
0x90: {  	s2 =	sld [smem:$0x3FD0];
	(tm) =	ssettm $0x1  }
0x91: {  	s18 =	sld [smem:$0x3FFB];
	_ =	sdelay $0x3  }
0x92: {  	_ =	strace s18  }
0x93: {  	s3 =	sld [smem:$0x3FFC];
	_ =	sdelay $0x3  }
0x94: {  	_ =	strace s3  }
0x95: {  	s3 =	sld [smem:$0x3FFD];
	_ =	sdelay $0x3  }
0x96: {  	_ =	strace s3  }
0x97: {  	_ =	strace $0x8FFFFFFF  }
0x98: {  	s19 =	sld [smem:$0x3FDB];
	_ =	sdelay $0x1  }
0x99: {  	s4 =	simm.s32 $_scs_section_size  }
0x9a: {  	s5 =	simm.s32 $_size__tile_overlayer_lowered;
	s6 =	simm.s32 $_tile_overlayer_lowered  }
0x9b: {  	s22 =	simm.s32 $0x1BFF;
	s21 =	sshll.u32 s6, $0x1;
	s3 =	sadd.s32 s4, s19  }
0x9c: {  	s7 =	simm.s32 $0x0;
	s20 =	sshll.u32 s5, $0x1;
	s5 =	sadd.s32 s21, s3  }
0x9d: {  	[timem:s7], [sflag:s22] =	dma.local [hbm:s5], s20  }
0x9e: {  	_ =	swait.ge [sflag:s22], s20  }
0x9f: {  	s4 =	ssub.s32 $0x0, s20;
	[sflag:s22] =	ssyncset.done $0x0  }
0xa0: {  	[sflag:s22] =	ssyncadd.s32 s4;
	_ =	sdelay $0x1  }
0xa1: {  	s23 =	simm.s32 $0x1B8B  }
0xa2: {  	_ =	swait.ge [sflag:s23], $0x1  }
0xa3: {  	[sflag:s23] =	ssyncset.done $0x0  }
0xa4: {  	s25 =	simm.s32 $0x1B8E;
	s24 =	sld [smem:$0x3FFE];
	[sflag:s23] =	ssyncadd.s32 $0xFFFFFFFF  }
0xa5: {  	s26 =	simm.s32 $execute0_lowered;
	[smem:$0x3FD2] =	sst s25  }
0xa6: {  	s5 =	sshll.u32 s26, $0x1;
	_ =	strace $0x80000046;
	[dreg:$0x1] =	wrdreg $0xFFFFFFFF  }
0xa7: {  	s28 =	simm.s32 $_size_execute0_lowered;
	s3 =	sadd.s32 s3, s5;
	[dreg:$0x0] =	wrdreg $0x0  }
0xa8: {  	s5 =	sshll.u32 s28, $0x1;
	[dreg:$0x2] =	wrdreg s3  }
0xa9: {  	[dreg:$0x3] =	wrdreg s5  }
0xaa: {  	[dreg:$0x4] =	wrdreg $0xC0  }
0xab: {  	_ =	task [dreg:s7], $0x5FFFF  }
0xac: {  	[dreg:$0x1] =	wrdreg $0xFFFFFFFF  }
0xad: {  	[dreg:$0x0] =	wrdreg $0x60  }
0xae: {  	[dreg:$0x2] =	wrdreg s24  }
0xaf: {  	[dreg:$0x3] =	wrdreg s2  }
0xb0: {  	[dreg:$0x4] =	wrdreg $0x9  }
0xb1: {  	_ =	task.clear_ibuf [dreg:s7], $0x5FFFF;
	_ =	strace $0x90000046  }
0xb2: {  	s29 =	simm.s32 $0x9;
	_ =	strace $0x80000048  }
0xb3: {  	_ =	swait.ge [sflag:s29], $0x1  }
0xb4: {  	[sflag:s29] =	ssyncadd.s32 $0xFFFFFFFF  }
0xb5: {  	_ =	strace $0x90000048  }
0xb6: {  	_ =	sfence  }
0xb7: {  	s30 =	sld [smem:$0x0];
	_ =	sdelay $0x2  }
0xb8: {  	s31 =	sshll.u32 s1, $0xD;
	s1 =	sshrl.u32 s1, $0x2  }
0xb9: {  	s3 =	sand.u32 $0x4000, s31;
	s1 =	sadd.s32 s1, s30  }
0xba: {  	s0 =	sor.u32 s3, s0;
	s1 =	sshll.u32 s1, $0x11  }
0xbb: {  	s0 =	sor.u32 s1, s0  }
0xbc: {  	s0 =	sadd.s32 $0x8F2B, s0  }
0xbd: {  	[sflag:s0] =	ssyncadd.remote.s32 $0x1  }
0xbe: {  	_ =	sfence.sel $0xFFFF  }
0xbf: {  	[dreg:$0x0] =	wrdreg $0xFFFFFFFF;
	(pc) =	sbr.abs _section_cstart, $3  }
0xc0: {  	[dreg:$0x1] =	wrdreg $0xFFFFFFFF  }
0xc1: {  	_ =	task.clear_ibuf [dreg:s7], $0x2FFFF;
	_ =	strace $0x9FFFFFFF  }
0xc2: {  	(tm) =	ssettm $0x7FFFFFFF  }
0xc3: {  	_ =	shalt  }
tec
execute0_lowered:
.L_overlay_start_1:
0x0: {  	(tag) =	ssettag $0x1  }
0x1: {  	s4 =	rddreg [dreg:$0x0]  }
0x2: {  	s1 =	srdreg.scid;
	s0 =	stileid.u32  }
0x3: {  	s8 =	rddreg [dreg:$0x1];
	s2 =	simm.s32 $0x0;
	s11 =	simm.s32 $0x100  }
0x4: {  	s12 =	simm.s32 $0x2780;
	s13 =	simm.s32 $0x4F00;
	s14 =	simm.s32 $0x7680  }
0x5: {  	s15 =	simm.s32 $0x9E00;
	s16 =	simm.s32 $0x1;
	s17 =	simm.s32 $0xC580  }
0x6: {  	s18 =	simm.s32 $0x2;
	s3 =	sand.u32 $0x1, s1;
	s5 =	sshll.u32 s0, $0x1  }
0x7: {  	s19 =	simm.s32 $0x0;
	s1 =	rddreg [dreg:$0x2];
	s5 =	sor.u32 s3, s5  }
0x8: {  	[smem:$0x7FF] =	sst s2;
	s31 =	ssub.s32 $0x2, s3;
	s9 =	smul.u32 $0x4E2, s5  }
0x9: {  	_ =	strace $0x80000047;
	s3 =	sadd.s32 $0x1F200, s4;
	s6 =	sshrl.u32 s31, $0x1  }
0xa: {  	s10 =	ssub.s32 s31, s6;
	s7 =	sadd.s32 s9, s4;
	s4 =	sadd.s32 $0x1F210, s4  }
0xb: {  	s8 =	sadd.s32 s8, s9;
	s9 =	smax.u32 s10, $0x1;
	s10 =	simm.s32 $0x80  }
0xc: {  	s5 =	sadd.s32 $0xB600, s7;
	s6 =	sadd.s32 $0x15400, s7;
	s7 =	sadd.s32 $0x1800, s7  }
.LBB2_1:
0xd: {  	[tilespmem:s2], [sflag:$0x1] =	stream.strided.gather [hbm4b:s3+s10], $0x2780, s11, s10, $0x38;
	[tilespmem:$0xED00] =	vst v63  }
0xe: {  	_ = 	snop  }
0xf: {  	[tilespmem:s12], [sflag:$0x1] =	stream.strided.gather [hbm4b:s4+s10], $0x2780, s11, s10, $0x38;
	[tilespmem:$0xED00] =	vst v63  }
0x10: {  	_ = 	snop  }
0x11: {  	[tilespmem:s13], [sflag:$0x1] =	stream.linear.gather [hbm4b:s5+s2], $0x2710, $0x38;
	[tilespmem:$0xED00] =	vst v63  }
0x12: {  	_ = 	snop  }
0x13: {  	[tilespmem:s14], [sflag:$0x1] =	stream.linear.gather [hbm4b:s6+s2], $0x2710, $0x38;
	[tilespmem:$0xED00] =	vst v63  }
0x14: {  	_ = 	snop  }
0x15: {  	[tilespmem:s15], [sflag:$0x1] =	stream.linear.gather [hbm4b:s7+s2], $0x2710, $0x38;
	[tilespmem:$0xED00] =	vst v63  }
0x16: {  	_ =	swait.ge [sflag:s16], $0x2780  }
0x17: {  	[sflag:s16] =	ssyncset.done $0x0  }
0x18: {  	[sflag:s16] =	ssyncadd.s32 $0xFFFFD880  }
0x19: {  	_ =	swait.ge [sflag:s16], $0x2780  }
0x1a: {  	[sflag:s16] =	ssyncset.done $0x0  }
0x1b: {  	[sflag:s16] =	ssyncadd.s32 $0xFFFFD880  }
0x1c: {  	_ =	swait.ge [sflag:s16], $0x2710  }
0x1d: {  	[sflag:s16] =	ssyncset.done $0x0  }
0x1e: {  	[sflag:s16] =	ssyncadd.s32 $0xFFFFD8F0  }
0x1f: {  	_ =	swait.ge [sflag:s16], $0x2710  }
0x20: {  	[sflag:s16] =	ssyncset.done $0x0  }
0x21: {  	[sflag:s16] =	ssyncadd.s32 $0xFFFFD8F0  }
0x22: {  	_ =	swait.ge [sflag:s16], $0x2710  }
0x23: {  	s21 =	simm.s32 $0x0;
	[sflag:s16] =	ssyncset.done $0x0  }
0x24: {  	s20 =	sand.u32 $0x3FF0, s21;
	[sflag:s16] =	ssyncadd.s32 $0xFFFFD8F0  }
0x25: {  	v5 =	vld [tilespmem:s20+$0x5080]  }
0x26: {  	v6 =	vld [tilespmem:s20+$0x7800]  }
0x27: {  	v4 =	vld [tilespmem:s20+$0x4F80]  }
0x28: {  	v3 =	vld [tilespmem:s20+$0x7700]  }
0x29: {  	v2 =	vld [tilespmem:s20+$0x5000]  }
0x2a: {  	v1 =	vld [tilespmem:s20+$0x7780]  }
0x2b: {  	v0 =	vld [tilespmem:s20+$0x9E80]  }
0x2c: {  	s22 =	simm.s32 $0x4FC0;
	v7 =	vld [tilespmem:s20+$0x9F80]  }
0x2d: {  	s23 =	simm.s32 $0x7740;
	v8 =	vld [tilespmem:s22+$0xB0]  }
0x2e: {  	v9 =	vld [tilespmem:s23+$0xB0]  }
0x2f: {  	v10 =	vld [tilespmem:s22+$0xFFFFFF40]  }
0x30: {  	v11 =	vld [tilespmem:s23+$0xFFFFFF40]  }
0x31: {  	v12 =	vld [tilespmem:s22+$0xFFFFFF50]  }
0x32: {  	v13 =	vld [tilespmem:s23+$0xFFFFFF50]  }
0x33: {  	v14 =	vld [tilespmem:s22+$0xFFFFFF60]  }
0x34: {  	v15 =	vld [tilespmem:s23+$0xFFFFFF60]  }
0x35: {  	v16 =	vld [tilespmem:s22+$0xFFFFFF70]  }
0x36: {  	s24 =	simm.s32 $0x9EC0;
	v17 =	vld [tilespmem:s23+$0xFFFFFF70]  }
0x37: {  	v18 =	vld [tilespmem:s24+$0xB0]  }
0x38: {  	v19 =	vld [tilespmem:s22+$0xFFFFFF80]  }
0x39: {  	v20 =	vld [tilespmem:s23+$0xFFFFFF80]  }
0x3a: {  	v21 =	vld [tilespmem:s22+$0xFFFFFF90]  }
0x3b: {  	v22 =	vld [tilespmem:s23+$0xFFFFFF90]  }
0x3c: {  	v23 =	vld [tilespmem:s22+$0xFFFFFFA0]  }
0x3d: {  	v24 =	vld [tilespmem:s23+$0xFFFFFFA0]  }
0x3e: {  	v25 =	vld [tilespmem:s22+$0xFFFFFFB0]  }
0x3f: {  	v26 =	vld [tilespmem:s23+$0xFFFFFFB0]  }
0x40: {  	v27 =	vld [tilespmem:s22+$0xFFFFFFD0]  }
0x41: {  	v28 =	vld [tilespmem:s23+$0xFFFFFFD0]  }
0x42: {  	v29 =	vld [tilespmem:s22+$0xFFFFFFE0]  }
0x43: {  	v30 =	vld [tilespmem:s23+$0xFFFFFFE0]  }
0x44: {  	v31 =	vld [tilespmem:s22+$0xFFFFFFF0]  }
0x45: {  	v32 =	vld [tilespmem:s23+$0xFFFFFFF0]  }
0x46: {  	v33 =	vld [tilespmem:s22+$0x0]  }
0x47: {  	v34 =	vld [tilespmem:s23+$0x0]  }
0x48: {  	v35 =	vld [tilespmem:s22+$0x10]  }
0x49: {  	v36 =	vld [tilespmem:s23+$0x10]  }
0x4a: {  	v37 =	vld [tilespmem:s22+$0x20]  }
0x4b: {  	v38 =	vld [tilespmem:s23+$0x20]  }
0x4c: {  	v39 =	vld [tilespmem:s22+$0x30]  }
0x4d: {  	v40 =	vld [tilespmem:s23+$0x30]  }
0x4e: {  	v41 =	vld [tilespmem:s22+$0x50]  }
0x4f: {  	v42 =	vld [tilespmem:s23+$0x50]  }
0x50: {  	v43 =	vld [tilespmem:s22+$0x60]  }
0x51: {  	v44 =	vld [tilespmem:s23+$0x60]  }
0x52: {  	v45 =	vld [tilespmem:s22+$0x70]  }
0x53: {  	v46 =	vld [tilespmem:s23+$0x70]  }
0x54: {  	v47 =	vld [tilespmem:s22+$0x80]  }
0x55: {  	v48 =	vld [tilespmem:s23+$0x80]  }
0x56: {  	v49 =	vld [tilespmem:s22+$0x90]  }
0x57: {  	v50 =	vld [tilespmem:s23+$0x90]  }
0x58: {  	v51 =	vld [tilespmem:s22+$0xA0]  }
0x59: {  	v52 =	vld [tilespmem:s23+$0xA0]  }
0x5a: {  	v53 =	vld [tilespmem:s24+$0xFFFFFF40]  }
0x5b: {  	v63 =	vld [tilespmem:s24+$0xFFFFFF80]  }
0x5c: {  	v57 =	vld [tilespmem:s24+$0x50]  }
0x5d: {  	v59 =	vld [tilespmem:s24+$0x70]  }
0x5e: {  	v60 =	vld [tilespmem:s24+$0x80]  }
0x5f: {  	v5 =	vld.idx.msk [tilespmem:v5+s2+$0x0], $0xffff  }
0x60: {  	v6 =	vld.idx.msk [tilespmem:v6+s12+$0x0], $0xffff  }
0x61: {  	v8 =	vld.idx.msk [tilespmem:v8+s2+$0x0], $0xffff  }
0x62: {  	v9 =	vld.idx.msk [tilespmem:v9+s12+$0x0], $0xffff  }
0x63: {  	v10 =	vld.idx.msk [tilespmem:v10+s2+$0x0], $0xffff  }
0x64: {  	v11 =	vld.idx.msk [tilespmem:v11+s12+$0x0], $0xffff  }
0x65: {  	v12 =	vld.idx.msk [tilespmem:v12+s2+$0x0], $0xffff  }
0x66: {  	v13 =	vld.idx.msk [tilespmem:v13+s12+$0x0], $0xffff  }
0x67: {  	v14 =	vld.idx.msk [tilespmem:v14+s2+$0x0], $0xffff  }
0x68: {  	v15 =	vld.idx.msk [tilespmem:v15+s12+$0x0], $0xffff  }
0x69: {  	v16 =	vld.idx.msk [tilespmem:v16+s2+$0x0], $0xffff  }
0x6a: {  	v17 =	vld.idx.msk [tilespmem:v17+s12+$0x0], $0xffff  }
0x6b: {  	v19 =	vld.idx.msk [tilespmem:v19+s2+$0x0], $0xffff  }
0x6c: {  	v20 =	vld.idx.msk [tilespmem:v20+s12+$0x0], $0xffff  }
0x6d: {  	v21 =	vld.idx.msk [tilespmem:v21+s2+$0x0], $0xffff  }
0x6e: {  	v22 =	vld.idx.msk [tilespmem:v22+s12+$0x0], $0xffff  }
0x6f: {  	v23 =	vld.idx.msk [tilespmem:v23+s2+$0x0], $0xffff  }
0x70: {  	v24 =	vld.idx.msk [tilespmem:v24+s12+$0x0], $0xffff  }
0x71: {  	v25 =	vld.idx.msk [tilespmem:v25+s2+$0x0], $0xffff  }
0x72: {  	v26 =	vld.idx.msk [tilespmem:v26+s12+$0x0], $0xffff  }
0x73: {  	v27 =	vld.idx.msk [tilespmem:v27+s2+$0x0], $0xffff  }
0x74: {  	v28 =	vld.idx.msk [tilespmem:v28+s12+$0x0], $0xffff  }
0x75: {  	v29 =	vld.idx.msk [tilespmem:v29+s2+$0x0], $0xffff  }
0x76: {  	v30 =	vld.idx.msk [tilespmem:v30+s12+$0x0], $0xffff  }
0x77: {  	v31 =	vld.idx.msk [tilespmem:v31+s2+$0x0], $0xffff  }
0x78: {  	v32 =	vld.idx.msk [tilespmem:v32+s12+$0x0], $0xffff  }
0x79: {  	v33 =	vld.idx.msk [tilespmem:v33+s2+$0x0], $0xffff  }
0x7a: {  	v34 =	vld.idx.msk [tilespmem:v34+s12+$0x0], $0xffff  }
0x7b: {  	v35 =	vld.idx.msk [tilespmem:v35+s2+$0x0], $0xffff  }
0x7c: {  	v36 =	vld.idx.msk [tilespmem:v36+s12+$0x0], $0xffff  }
0x7d: {  	v37 =	vld.idx.msk [tilespmem:v37+s2+$0x0], $0xffff  }
0x7e: {  	v38 =	vld.idx.msk [tilespmem:v38+s12+$0x0], $0xffff  }
0x7f: {  	v39 =	vld.idx.msk [tilespmem:v39+s2+$0x0], $0xffff  }
0x80: {  	v40 =	vld.idx.msk [tilespmem:v40+s12+$0x0], $0xffff  }
0x81: {  	v41 =	vld.idx.msk [tilespmem:v41+s2+$0x0], $0xffff  }
0x82: {  	v42 =	vld.idx.msk [tilespmem:v42+s12+$0x0], $0xffff  }
0x83: {  	v43 =	vld.idx.msk [tilespmem:v43+s2+$0x0], $0xffff  }
0x84: {  	v44 =	vld.idx.msk [tilespmem:v44+s12+$0x0], $0xffff  }
0x85: {  	v45 =	vld.idx.msk [tilespmem:v45+s2+$0x0], $0xffff  }
0x86: {  	v46 =	vld.idx.msk [tilespmem:v46+s12+$0x0], $0xffff  }
0x87: {  	v47 =	vld.idx.msk [tilespmem:v47+s2+$0x0], $0xffff  }
0x88: {  	v48 =	vld.idx.msk [tilespmem:v48+s12+$0x0], $0xffff  }
0x89: {  	v5 =	vadd.f32 v6, v5;
	v6 =	vld [tilespmem:s24+$0xFFFFFF50]  }
0x8a: {  	v8 =	vadd.f32 v9, v8;
	v9 =	vld [tilespmem:s24+$0xFFFFFF60]  }
0x8b: {  	v5 =	vadd.f32 v7, v5;
	v7 =	vadd.f32 v11, v10;
	v10 =	vld [tilespmem:s24+$0xFFFFFF70]  }
0x8c: {  	v49 =	vld.idx.msk [tilespmem:v49+s2+$0x0], $0xffff;
	v8 =	vadd.f32 v18, v8;
	v11 =	vadd.f32 v13, v12  }
0x8d: {  	s25 =	simm.s32 $0xC640;
	v18 =	vld [tilespmem:s24+$0xFFFFFF90];
	[tilespmem:s20+$0xC700] =	vst v5;
	v5 =	vadd.f32 v15, v14;
	v7 =	vadd.f32 v53, v7  }
0x8e: {  	[tilespmem:s25+$0xB0] =	vst v8;
	v8 =	vadd.f32 v17, v16;
	v6 =	vadd.f32 v6, v11;
	v11 =	vld [tilespmem:s24+$0xFFFFFFA0]  }
0x8f: {  	v20 =	vadd.f32 v20, v19;
	[tilespmem:s25+$0xFFFFFF40] =	vst v7;
	v5 =	vadd.f32 v9, v5;
	v7 =	vld [tilespmem:s24+$0xFFFFFFB0]  }
0x90: {  	v9 =	vadd.f32 v22, v21;
	[tilespmem:s25+$0xFFFFFF50] =	vst v6;
	v6 =	vadd.f32 v10, v8;
	v8 =	vld [tilespmem:s24+$0xFFFFFFD0]  }
0x91: {  	v10 =	vadd.f32 v24, v23;
	v24 =	vld [tilespmem:s24+$0xFFFFFFE0];
	[tilespmem:s25+$0xFFFFFF60] =	vst v5;
	v5 =	vadd.f32 v63, v20  }
0x92: {  	v26 =	vadd.f32 v26, v25;
	[tilespmem:s25+$0xFFFFFF70] =	vst v6;
	v6 =	vadd.f32 v18, v9;
	v9 =	vld [tilespmem:s24+$0xFFFFFFF0]  }
0x93: {  	v53 =	vadd.f32 v28, v27;
	[tilespmem:s25+$0xFFFFFF80] =	vst v5;
	v5 =	vadd.f32 v11, v10;
	v10 =	vld [tilespmem:s24+$0x0]  }
0x94: {  	v11 =	vadd.f32 v30, v29;
	[tilespmem:s25+$0xFFFFFF90] =	vst v6;
	v6 =	vadd.f32 v7, v26;
	v7 =	vld [tilespmem:s24+$0x10]  }
0x95: {  	v54 =	vadd.f32 v32, v31;
	[tilespmem:s25+$0xFFFFFFA0] =	vst v5;
	v5 =	vadd.f32 v8, v53;
	v8 =	vld [tilespmem:s24+$0x20]  }
0x96: {  	v55 =	vadd.f32 v34, v33;
	[tilespmem:s25+$0xFFFFFFB0] =	vst v6;
	v6 =	vadd.f32 v24, v11;
	v11 =	vld [tilespmem:s24+$0x30]  }
0x97: {  	v50 =	vld.idx.msk [tilespmem:v50+s12+$0x0], $0xffff;
	v56 =	vadd.f32 v36, v35;
	[tilespmem:s25+$0xFFFFFFD0] =	vst v5;
	v5 =	vadd.f32 v9, v54  }
0x98: {  	v9 =	vadd.f32 v38, v37;
	[tilespmem:s25+$0xFFFFFFE0] =	vst v6;
	v6 =	vadd.f32 v10, v55;
	v10 =	vld [tilespmem:s24+$0x60]  }
0x99: {  	v51 =	vld.idx.msk [tilespmem:v51+s2+$0x0], $0xffff;
	v58 =	vadd.f32 v40, v39;
	[tilespmem:s25+$0xFFFFFFF0] =	vst v5;
	v5 =	vadd.f32 v7, v56  }
0x9a: {  	v52 =	vld.idx.msk [tilespmem:v52+s12+$0x0], $0xffff;
	v7 =	vadd.f32 v42, v41;
	[tilespmem:s25+$0x0] =	vst v6;
	v6 =	vadd.f32 v8, v9  }
0x9b: {  	v61 =	vadd.f32 v44, v43;
	v9 =	vld [tilespmem:s24+$0x90];
	[tilespmem:s25+$0x10] =	vst v5;
	v5 =	vadd.f32 v11, v58  }
0x9c: {  	v8 =	vld [tilespmem:s24+$0xA0];
	v11 =	vadd.f32 v46, v45;
	v62 =	vadd.f32 v57, v7;
	[tilespmem:s25+$0x20] =	vst v6  }
0x9d: {  	v3 =	vld.idx.msk [tilespmem:v3+s12+$0x0], $0xffff;
	v63 =	vadd.f32 v48, v47;
	[tilespmem:s25+$0x30] =	vst v5;
	v16 =	vadd.f32 v10, v61  }
0x9e: {  	v7 =	vld.idx.msk [tilespmem:v4+s2+$0x0], $0xffff;
	v6 =	vadd.f32 v50, v49;
	[tilespmem:s25+$0x50] =	vst v62;
	v4 =	vadd.f32 v59, v11  }
0x9f: {  	v5 =	vadd.f32 v52, v51;
	v10 =	vld.idx.msk [tilespmem:v2+s2+$0x0], $0xffff;
	v2 =	vadd.f32 v60, v63;
	[tilespmem:s25+$0x60] =	vst v16  }
.LBB2_2:
0xa0: {  	s21 =	sadd.s32 $0x190, s21;
	v1 =	vld.idx.msk [tilespmem:v1+s12+$0x0], $0xffff;
	[tilespmem:s25+$0x70] =	vst v4;
	v4 =	vadd.f32 v9, v6  }
0xa1: {  	s26 =	sand.u32 $0x3FF0, s21;
	p0 =	slt.u32 s21, $0x2580;
	v6 =	vld [tilespmem:s20+$0x9F00];
	[tilespmem:s25+$0x80] =	vst v2;
	v2 =	vadd.f32 v8, v5  }
0xa2: {  	v5 =	vld [tilespmem:s26+$0x5080];
	[tilespmem:s25+$0x90] =	vst v4  }
0xa3: {  	v8 =	vld [tilespmem:s26+$0x7800];
	[tilespmem:s25+$0xA0] =	vst v2  }
0xa4: {  	v7 =	vadd.f32 v3, v7;
	v4 =	vld [tilespmem:s26+$0x4F80]  }
0xa5: {  	v3 =	vld [tilespmem:s26+$0x7700]  }
0xa6: {  	v7 =	vadd.f32 v0, v7;
	v9 =	vadd.f32 v1, v10;
	v2 =	vld [tilespmem:s26+$0x5000]  }
0xa7: {  	v1 =	vld [tilespmem:s26+$0x7780]  }
0xa8: {  	v6 =	vadd.f32 v6, v9;
	v0 =	vld [tilespmem:s26+$0x9E80];
	[tilespmem:s20+$0xC600] =	vst v7  }
0xa9: {  	v7 =	vld [tilespmem:s26+$0x9F80]  }
0xaa: {  	v5 =	vld.idx.msk [tilespmem:v5+s2+$0x0], $0xffff;
	[tilespmem:s20+$0xC680] =	vst v6;
	s20 =	smov.u32 s26  }
0xab: {  	s22 =	sadd.s32 $0x190, s22;
	v6 =	vld.idx.msk [tilespmem:v8+s12+$0x0], $0xffff  }
0xac: {  	s23 =	sadd.s32 $0x190, s23;
	v8 =	vld [tilespmem:s22+$0xB0]  }
0xad: {  	v9 =	vld [tilespmem:s23+$0xB0]  }
0xae: {  	v10 =	vld [tilespmem:s22+$0xFFFFFF40]  }
0xaf: {  	v11 =	vld [tilespmem:s23+$0xFFFFFF40]  }
0xb0: {  	v12 =	vld [tilespmem:s22+$0xFFFFFF50]  }
0xb1: {  	v13 =	vld [tilespmem:s23+$0xFFFFFF50]  }
0xb2: {  	v14 =	vld [tilespmem:s22+$0xFFFFFF60]  }
0xb3: {  	v15 =	vld [tilespmem:s23+$0xFFFFFF60]  }
0xb4: {  	v8 =	vld.idx.msk [tilespmem:v8+s2+$0x0], $0xffff  }
0xb5: {  	v9 =	vld.idx.msk [tilespmem:v9+s12+$0x0], $0xffff  }
0xb6: {  	v16 =	vld [tilespmem:s22+$0xFFFFFF70]  }
0xb7: {  	s24 =	sadd.s32 $0x190, s24;
	v17 =	vld [tilespmem:s23+$0xFFFFFF70]  }
0xb8: {  	v18 =	vld [tilespmem:s24+$0xB0]  }
0xb9: {  	v19 =	vld [tilespmem:s22+$0xFFFFFF80]  }
0xba: {  	v5 =	vadd.f32 v6, v5;
	v20 =	vld [tilespmem:s23+$0xFFFFFF80]  }
0xbb: {  	v8 =	vadd.f32 v9, v8;
	v6 =	vld [tilespmem:s22+$0xFFFFFF90]  }
0xbc: {  	v5 =	vadd.f32 v7, v5;
	v9 =	vld [tilespmem:s23+$0xFFFFFF90]  }
0xbd: {  	v7 =	vld [tilespmem:s22+$0xFFFFFFA0];
	v8 =	vadd.f32 v18, v8  }
0xbe: {  	s25 =	sadd.s32 $0x190, s25;
	v18 =	vld [tilespmem:s23+$0xFFFFFFA0];
	[tilespmem:s20+$0xC700] =	vst v5  }
0xbf: {  	v5 =	vld [tilespmem:s22+$0xFFFFFFB0];
	[tilespmem:s25+$0xB0] =	vst v8  }
0xc0: {  	v8 =	vld [tilespmem:s23+$0xFFFFFFB0]  }
0xc1: {  	v21 =	vld [tilespmem:s22+$0xFFFFFFD0]  }
0xc2: {  	v22 =	vld [tilespmem:s23+$0xFFFFFFD0]  }
0xc3: {  	v23 =	vld [tilespmem:s22+$0xFFFFFFE0]  }
0xc4: {  	v24 =	vld [tilespmem:s23+$0xFFFFFFE0]  }
0xc5: {  	v25 =	vld [tilespmem:s22+$0xFFFFFFF0]  }
0xc6: {  	v26 =	vld [tilespmem:s23+$0xFFFFFFF0]  }
0xc7: {  	v27 =	vld [tilespmem:s22+$0x0]  }
0xc8: {  	v28 =	vld [tilespmem:s23+$0x0]  }
0xc9: {  	v29 =	vld [tilespmem:s22+$0x10]  }
0xca: {  	v30 =	vld [tilespmem:s23+$0x10]  }
0xcb: {  	v31 =	vld [tilespmem:s22+$0x20]  }
0xcc: {  	v32 =	vld [tilespmem:s23+$0x20]  }
0xcd: {  	v33 =	vld [tilespmem:s22+$0x30]  }
0xce: {  	v34 =	vld [tilespmem:s23+$0x30]  }
0xcf: {  	v35 =	vld [tilespmem:s22+$0x50]  }
0xd0: {  	v36 =	vld [tilespmem:s23+$0x50]  }
0xd1: {  	v37 =	vld [tilespmem:s22+$0x60]  }
0xd2: {  	v38 =	vld [tilespmem:s23+$0x60]  }
0xd3: {  	v39 =	vld [tilespmem:s22+$0x70]  }
0xd4: {  	v40 =	vld [tilespmem:s23+$0x70]  }
0xd5: {  	v41 =	vld [tilespmem:s22+$0x80]  }
0xd6: {  	v42 =	vld [tilespmem:s23+$0x80]  }
0xd7: {  	v43 =	vld [tilespmem:s22+$0x90]  }
0xd8: {  	v44 =	vld [tilespmem:s23+$0x90]  }
0xd9: {  	v45 =	vld [tilespmem:s22+$0xA0]  }
0xda: {  	v46 =	vld [tilespmem:s23+$0xA0]  }
0xdb: {  	v10 =	vld.idx.msk [tilespmem:v10+s2+$0x0], $0xffff  }
0xdc: {  	v11 =	vld.idx.msk [tilespmem:v11+s12+$0x0], $0xffff  }
0xdd: {  	v12 =	vld.idx.msk [tilespmem:v12+s2+$0x0], $0xffff  }
0xde: {  	v13 =	vld.idx.msk [tilespmem:v13+s12+$0x0], $0xffff  }
0xdf: {  	v14 =	vld.idx.msk [tilespmem:v14+s2+$0x0], $0xffff  }
0xe0: {  	v15 =	vld.idx.msk [tilespmem:v15+s12+$0x0], $0xffff  }
0xe1: {  	v16 =	vld.idx.msk [tilespmem:v16+s2+$0x0], $0xffff  }
0xe2: {  	v10 =	vadd.f32 v11, v10;
	v11 =	vld.idx.msk [tilespmem:v17+s12+$0x0], $0xffff  }
0xe3: {  	v17 =	vld.idx.msk [tilespmem:v19+s2+$0x0], $0xffff  }
0xe4: {  	v12 =	vadd.f32 v13, v12;
	v13 =	vld.idx.msk [tilespmem:v20+s12+$0x0], $0xffff  }
0xe5: {  	v6 =	vld.idx.msk [tilespmem:v6+s2+$0x0], $0xffff  }
0xe6: {  	v14 =	vadd.f32 v15, v14;
	v9 =	vld.idx.msk [tilespmem:v9+s12+$0x0], $0xffff  }
0xe7: {  	v7 =	vld.idx.msk [tilespmem:v7+s2+$0x0], $0xffff  }
0xe8: {  	v11 =	vadd.f32 v11, v16;
	v15 =	vld.idx.msk [tilespmem:v18+s12+$0x0], $0xffff  }
0xe9: {  	v5 =	vld.idx.msk [tilespmem:v5+s2+$0x0], $0xffff  }
0xea: {  	v13 =	vadd.f32 v13, v17;
	v8 =	vld.idx.msk [tilespmem:v8+s12+$0x0], $0xffff  }
0xeb: {  	v16 =	vld.idx.msk [tilespmem:v21+s2+$0x0], $0xffff  }
0xec: {  	v9 =	vadd.f32 v9, v6;
	v6 =	vld.idx.msk [tilespmem:v22+s12+$0x0], $0xffff  }
0xed: {  	v17 =	vld.idx.msk [tilespmem:v23+s2+$0x0], $0xffff  }
0xee: {  	v7 =	vadd.f32 v15, v7;
	v15 =	vld.idx.msk [tilespmem:v24+s12+$0x0], $0xffff  }
0xef: {  	v18 =	vld.idx.msk [tilespmem:v25+s2+$0x0], $0xffff  }
0xf0: {  	v8 =	vadd.f32 v8, v5;
	v5 =	vld.idx.msk [tilespmem:v26+s12+$0x0], $0xffff  }
0xf1: {  	v19 =	vld.idx.msk [tilespmem:v27+s2+$0x0], $0xffff  }
0xf2: {  	v16 =	vadd.f32 v6, v16;
	v6 =	vld.idx.msk [tilespmem:v28+s12+$0x0], $0xffff  }
0xf3: {  	v20 =	vld.idx.msk [tilespmem:v29+s2+$0x0], $0xffff  }
0xf4: {  	v15 =	vadd.f32 v15, v17;
	v17 =	vld.idx.msk [tilespmem:v30+s12+$0x0], $0xffff  }
0xf5: {  	v21 =	vld.idx.msk [tilespmem:v31+s2+$0x0], $0xffff  }
0xf6: {  	v18 =	vadd.f32 v5, v18;
	v5 =	vld.idx.msk [tilespmem:v32+s12+$0x0], $0xffff  }
0xf7: {  	v22 =	vld.idx.msk [tilespmem:v33+s2+$0x0], $0xffff  }
0xf8: {  	v19 =	vadd.f32 v6, v19;
	v6 =	vld.idx.msk [tilespmem:v34+s12+$0x0], $0xffff  }
0xf9: {  	v23 =	vld.idx.msk [tilespmem:v35+s2+$0x0], $0xffff  }
0xfa: {  	v17 =	vadd.f32 v17, v20;
	v20 =	vld.idx.msk [tilespmem:v36+s12+$0x0], $0xffff  }
0xfb: {  	v24 =	vld.idx.msk [tilespmem:v37+s2+$0x0], $0xffff  }
0xfc: {  	v21 =	vadd.f32 v5, v21;
	v5 =	vld.idx.msk [tilespmem:v38+s12+$0x0], $0xffff  }
0xfd: {  	v25 =	vld.idx.msk [tilespmem:v39+s2+$0x0], $0xffff  }
0xfe: {  	v22 =	vadd.f32 v6, v22;
	v6 =	vld.idx.msk [tilespmem:v40+s12+$0x0], $0xffff  }
0xff: {  	v26 =	vld.idx.msk [tilespmem:v41+s2+$0x0], $0xffff  }
0x100: {  	v20 =	vadd.f32 v20, v23;
	v23 =	vld.idx.msk [tilespmem:v42+s12+$0x0], $0xffff  }
0x101: {  	v27 =	vld.idx.msk [tilespmem:v43+s2+$0x0], $0xffff  }
0x102: {  	v24 =	vadd.f32 v5, v24;
	v5 =	vld.idx.msk [tilespmem:v44+s12+$0x0], $0xffff  }
0x103: {  	v28 =	vld.idx.msk [tilespmem:v45+s2+$0x0], $0xffff  }
0x104: {  	v25 =	vadd.f32 v6, v25;
	v29 =	vld.idx.msk [tilespmem:v46+s12+$0x0], $0xffff  }
0x105: {  	v30 =	vld [tilespmem:s24+$0xFFFFFF40]  }
0x106: {  	v23 =	vadd.f32 v23, v26;
	v31 =	vld [tilespmem:s24+$0xFFFFFF50]  }
0x107: {  	v26 =	vld [tilespmem:s24+$0xFFFFFF60]  }
0x108: {  	v6 =	vadd.f32 v5, v27;
	v32 =	vld [tilespmem:s24+$0xFFFFFF70]  }
0x109: {  	v27 =	vld [tilespmem:s24+$0xFFFFFF80]  }
0x10a: {  	v5 =	vadd.f32 v29, v28;
	v10 =	vadd.f32 v30, v10;
	v30 =	vld [tilespmem:s24+$0xFFFFFF90]  }
0x10b: {  	v12 =	vadd.f32 v31, v12;
	v28 =	vld [tilespmem:s24+$0xFFFFFFA0]  }
0x10c: {  	[tilespmem:s25+$0xFFFFFF40] =	vst v10;
	v10 =	vadd.f32 v26, v14;
	v14 =	vld [tilespmem:s24+$0xFFFFFFB0]  }
0x10d: {  	[tilespmem:s25+$0xFFFFFF50] =	vst v12;
	v11 =	vadd.f32 v32, v11;
	v12 =	vld [tilespmem:s24+$0xFFFFFFD0]  }
0x10e: {  	[tilespmem:s25+$0xFFFFFF60] =	vst v10;
	v10 =	vadd.f32 v27, v13;
	v13 =	vld [tilespmem:s24+$0xFFFFFFE0]  }
0x10f: {  	[tilespmem:s25+$0xFFFFFF70] =	vst v11;
	v9 =	vadd.f32 v30, v9;
	v11 =	vld [tilespmem:s24+$0xFFFFFFF0]  }
0x110: {  	[tilespmem:s25+$0xFFFFFF80] =	vst v10;
	v7 =	vadd.f32 v28, v7;
	v10 =	vld [tilespmem:s24+$0x0]  }
0x111: {  	[tilespmem:s25+$0xFFFFFF90] =	vst v9;
	v8 =	vadd.f32 v14, v8;
	v9 =	vld [tilespmem:s24+$0x10]  }
0x112: {  	[tilespmem:s25+$0xFFFFFFA0] =	vst v7;
	v7 =	vadd.f32 v12, v16;
	v12 =	vld [tilespmem:s24+$0x20]  }
0x113: {  	[tilespmem:s25+$0xFFFFFFB0] =	vst v8;
	v8 =	vadd.f32 v13, v15;
	v13 =	vld [tilespmem:s24+$0x30]  }
0x114: {  	[tilespmem:s25+$0xFFFFFFD0] =	vst v7;
	v7 =	vadd.f32 v11, v18;
	v11 =	vld [tilespmem:s24+$0x50]  }
0x115: {  	[tilespmem:s25+$0xFFFFFFE0] =	vst v8;
	v8 =	vadd.f32 v10, v19;
	v10 =	vld [tilespmem:s24+$0x60]  }
0x116: {  	[tilespmem:s25+$0xFFFFFFF0] =	vst v7;
	v7 =	vadd.f32 v9, v17;
	v14 =	vld [tilespmem:s24+$0x70]  }
0x117: {  	[tilespmem:s25+$0x0] =	vst v8;
	v8 =	vadd.f32 v12, v21;
	v12 =	vld [tilespmem:s24+$0x80]  }
.Ltmp0:
0x118: {  	[tilespmem:s25+$0x10] =	vst v7;
	v13 =	vadd.f32 v13, v22;
	v9 =	vld [tilespmem:s24+$0x90];
	(pc) =	sbr.rel @p0 .LBB2_2-.Ltmp0, $4  }
0x119: {  	[tilespmem:s25+$0x20] =	vst v8;
	v11 =	vadd.f32 v11, v20;
	v8 =	vld [tilespmem:s24+$0xA0]  }
0x11a: {  	v7 =	vld.idx.msk [tilespmem:v4+s2+$0x0], $0xffff;
	[tilespmem:s25+$0x30] =	vst v13;
	v13 =	vadd.f32 v10, v24  }
0x11b: {  	v3 =	vld.idx.msk [tilespmem:v3+s12+$0x0], $0xffff;
	[tilespmem:s25+$0x50] =	vst v11;
	v4 =	vadd.f32 v14, v25  }
0x11c: {  	v10 =	vld.idx.msk [tilespmem:v2+s2+$0x0], $0xffff;
	[tilespmem:s25+$0x60] =	vst v13;
	v2 =	vadd.f32 v12, v23  }
0x11d: {  	_ =	sdelay $0x3  }
0x11e: {  	v1 =	vld.idx.msk [tilespmem:v1+s12+$0x0], $0xffff;
	_ =	sdelay $0x1  }
0x11f: {  	v11 =	vld [tilespmem:s20+$0x9F00];
	_ =	sdelay $0x1  }
0x120: {  	[tilespmem:s25+$0x70] =	vst v4;
	v62 =	vadd.f32 v9, v6;
	v3 =	vadd.f32 v3, v7  }
0x121: {  	[tilespmem:s25+$0x80] =	vst v2;
	v63 =	vadd.f32 v8, v5;
	v1 =	vadd.f32 v1, v10  }
0x122: {  	[tilespmem:s25+$0x90] =	vst v62;
	v0 =	vadd.f32 v0, v3  }
0x123: {  	s19 =	sadd.s32 $0x1, s19;
	[tilespmem:s25+$0xA0] =	vst v63;
	v1 =	vadd.f32 v11, v1  }
0x124: {  	p0 =	sne.s32 s19, s9;
	[tilespmem:s20+$0xC600] =	vst v0  }
.Ltmp1:
0x125: {  	[tilespmem:s20+$0xC680] =	vst v1;
	(pc) =	sbr.rel @p0 .LBB2_1-.Ltmp1, $4  }
0x126: {  	[hbm4b:s8+s2] =	stream.linear.scatter [tilespmem:s17], [sflag:$0x2], $0x2710, $0x38;
	[tilespmem:$0xED00] =	vst v63  }
0x127: {  	_ =	swait.ge [sflag:s18], $0x2710  }
0x128: {  	[sflag:s18] =	ssyncset.done $0x0  }
0x129: {  	[sflag:s18] =	ssyncadd.s32 $0xFFFFD8F0  }
0x12a: {  	_ =	sfence.sel $0x180000  }
0x12b: {  	[bflag:$0x0] =	sbarrier.arrive $0xFFFF  }
0x12c: {  	p0 =	sne.s32 s0, $0x0;
	_ =	strace $0x90000047  }
0x12d: {  	s0 =	sadd.s32 @!p0 $0x100000, s1;
	[bflag:$0x2] =	sbarrier.arrive $0xFFFF  }
0x12e: {  	[sflag:s0] =	ssyncadd.tile.s32 @!p0 $0x1;
	_ =	shalt  }
.Lfunc_end2:
_tile_overlayer_lowered:
.L_overlay_start_2:
0x12f: {  	(tag) =	ssettag $0x2  }
0x130: {  	s0 =	rddreg [dreg:$0x0];
	s2 =	stileid.u32  }
0x131: {  	s1 =	rddreg [dreg:$0x1];
	p0 =	sne.s32 s2, $0x0  }
0x132: {  	s3 =	rddreg [dreg:$0x2];
	[bflag:$0x3] =	sbarrier.arrive $0xFFFF;
	s2 =	simm.s32 @!p0 $0x1C02  }
0x133: {  	[timem:s3], [sflag:s2] =	dma.local @!p0 [hbm:s0], s1  }
0x134: {  	s0 =	simm.s32 @!p0 $0x2  }
0x135: {  	_ =	swait.ge @!p0 [sflag:s0], s1  }
0x136: {  	s1 =	ssub.s32 @!p0 $0x0, s1;
	[sflag:s0] =	ssyncset.done @!p0 $0x0  }
0x137: {  	[sflag:s0] =	ssyncadd.s32 @!p0 s1  }
0x138: {  	[bflag:$0x3] =	sbarrier.arrive $0xFFFF  }
0x139: {  	_ =	shalt  }

</sc_bundles>
